<compile_context>
chip_gen: v7x
topology: tpu7x:2x2x1
jax: 0.10.2.dev20260603
libtpu: 0.0.44.dev20260713+nightly
codegen_flags: <defaults>
</compile_context>

<pallas_src>
import functools

import jax
import jax.numpy as jnp
from jax import lax
from jax.experimental import pallas as pl
from jax.experimental.pallas import tpu as pltpu
from jax.experimental.pallas import tpu_sc as plsc

_B, _F, _C = 4096, 26, 1000
_NC, _NS = 2, 16
_NW = _NC * _NS
_BW = _B // _NW
_CW = 128
_NBUF = 4
_CHK = (0, 128, 256, 384, 512, 640, 768, 872)
_CWQ = (128, 128, 128, 128, 128, 128, 104, 128)
_NQ = len(_CHK)


def _onehot_body(xt_hbm, out_hbm, xcol_v, buf_v, s0, s1, s2, s3):
    sems = (s0, s1, s2, s3)
    wid = lax.axis_index("c") * _NS + lax.axis_index("s")
    b0 = wid * _BW

    zeros = jnp.zeros((16,), jnp.float32)
    ones = jnp.ones((16,), jnp.float32)
    lanes = lax.iota(jnp.int32, 16)

    pltpu.sync_copy(xt_hbm.at[:, pl.ds(b0, _BW)], xcol_v)

    def _zero_slot(s):
        def _zrow(r, carry):
            for u in range(_BW // 16):
                buf_v[s, r, pl.ds(u * 16, 16)] = zeros
            return carry
        lax.fori_loop(0, _CW, _zrow, 0)

    def _scatter(s, q, f, val):
        c0 = _CHK[q]
        sv = jnp.full((16,), s, jnp.int32)

        def _grp(u, carry):
            cj = xcol_v[f, pl.ds(u * 16, 16)]
            m = (cj >= c0) & (cj < c0 + _CWQ[q])
            plsc.store_scatter(buf_v, [sv, cj - c0, u * 16 + lanes],
                               val, mask=m)
            return carry

        lax.fori_loop(0, _BW // 16, _grp, 0)

    def _copy(s, f, q):
        return pltpu.make_async_copy(
            buf_v.at[s, pl.ds(0, _CWQ[q])],
            out_hbm.at[f, pl.ds(_CHK[q], _CWQ[q]), pl.ds(b0, _BW)],
            sems[s])

    for q in range(_NBUF):
        _zero_slot(q)
        _scatter(q, q, 0, ones)
        _copy(q, 0, q).start()
    for q in range(_NBUF, _NQ):
        s = q % _NBUF
        _copy(s, 0, q - _NBUF).wait()
        _scatter(s, q - _NBUF, 0, zeros)
        _scatter(s, q, 0, ones)
        _copy(s, 0, q).start()

    def _body(f, carry):
        for q in range(_NQ):
            s = q % _NBUF
            oldq = (q + _NBUF) % _NQ
            of = f - 1 if q < _NBUF else f
            _copy(s, of, oldq).wait()
            _scatter(s, oldq, of, zeros)
            _scatter(s, q, f, ones)
            _copy(s, f, q).start()
        return carry

    lax.fori_loop(1, _F, _body, 0)

    for q in range(_NBUF, _NQ):
        _copy(q % _NBUF, _F - 1, q).wait()


_onehot_sc = functools.partial(
    pl.kernel,
    out_type=jax.ShapeDtypeStruct((_F, _C, _B), jnp.float32),
    mesh=plsc.VectorSubcoreMesh(core_axis_name="c", subcore_axis_name="s"),
    compiler_params=pltpu.CompilerParams(needs_layout_passes=False),
    scratch_types=[
        pltpu.VMEM((_F, _BW), jnp.int32),
        pltpu.VMEM((_NBUF, _CW, _BW), jnp.float32),
        pltpu.SemaphoreType.DMA,
        pltpu.SemaphoreType.DMA,
        pltpu.SemaphoreType.DMA,
        pltpu.SemaphoreType.DMA,
    ],
)(_onehot_body)


def kernel(x):
    xt = x.astype(jnp.int32).T
    return _onehot_sc(xt).transpose(2, 0, 1)

# --- scband reference (transcript-rebuilt; emitter-appended) ---
"""Pipeline reference for scband-one-hot-encoding-85779086836151 (READ-ONLY COPY).

The authoritative reference and input builder live on the scoring server;
editing this copy changes nothing except your own understanding.
"""

import jax, jax.numpy as jnp
import numpy as np

NUM_CATEGORIES = 1000

def setup_inputs(seed: int = 0) -> dict:
    key = jax.random.key(seed)
    x = jax.random.randint(key, (4096, 26), 0, NUM_CATEGORIES, dtype=jnp.int64)
    return {"x": x}

def reference(x) -> jnp.ndarray:
    # torch.nn.functional.one_hot(x, num_classes=NUM_CATEGORIES).float()
    out = jax.nn.one_hot(x, NUM_CATEGORIES, dtype=jnp.float32)
    return out

if __name__ == "__main__":
    import jax
    _d = setup_inputs()
    print(jax.jit(kernel)(*tuple(_d.values())))

</pallas_src>

<mosaic_0001>
#map = affine_map<(d0, d1) -> (0, 0)>
#map1 = affine_map<(d0, d1) -> (0, 0, 0)>
module attributes {stable_mosaic.version = 14 : i64} {
  func.func @_onehot_body(%arg0: i32, %arg1: i32, %arg2: memref<26x4096xi32, #tpu.memory_space<hbm>>, %arg3: memref<26x1000x4096xf32, #tpu.memory_space<hbm>>, %arg4: memref<26x128xi32, #tpu.memory_space<vmem>>, %arg5: memref<4x128x128xf32, #tpu.memory_space<vmem>>, %arg6: memref<!tpu.dma_semaphore, #tpu.memory_space<semaphore_mem>>, %arg7: memref<!tpu.dma_semaphore, #tpu.memory_space<semaphore_mem>>, %arg8: memref<!tpu.dma_semaphore, #tpu.memory_space<semaphore_mem>>, %arg9: memref<!tpu.dma_semaphore, #tpu.memory_space<semaphore_mem>>) attributes {dimension_semantics = [#tpu.dimension_semantics<core_parallel>, #tpu.dimension_semantics<subcore_parallel>], iteration_bounds = array<i64: 2, 16>, scalar_prefetch = 0 : i64, scratch_operands = 6 : i64, tpu.core_type = #tpu.core_type<sc_vector_subcore>, window_params = [{transform_indices = #map}, {transform_indices = #map1}]} {
    %mul3A = arith.constant 16 : i32
    %mul3A_0 = arith.muli %arg0, %mul3A : i32
    %add3A = arith.addi %mul3A_0, %arg1 : i32
    %mul3A_1 = arith.constant 128 : i32
    %mul3A_2 = arith.muli %add3A, %mul3A_1 : i32
    %broadcast_in_dim3A = arith.constant 0.000000e+00 : f32
    %broadcast_in_dim3A_3 = vector.broadcast %broadcast_in_dim3A : f32 to vector<16xf32>
    %broadcast_in_dim3A_4 = arith.constant 1.000000e+00 : f32
    %broadcast_in_dim3A_5 = vector.broadcast %broadcast_in_dim3A_4 : f32 to vector<16xf32>
    %iota3A = tpu.iota {dimensions = array<i32: 0>} : vector<16xi32>
    "tpu.region"() ({
      %run_scoped3A = tpu.sem_alloc : memref<!tpu.dma_semaphore, #tpu.memory_space<semaphore_mem>>
      %dma_start3A_385 = arith.constant 0 : i32
      %dma_start3A_386 = tpu.memref_slice %arg2[%dma_start3A_385, %mul3A_2] : memref<26x4096xi32, #tpu.memory_space<hbm>> -> memref<26x128xi32, #tpu.memory_space<hbm>>
      %dma_start3A_387 = arith.constant 0 : i32
      %dma_start3A_388 = tpu.memref_slice %arg2[%dma_start3A_387, %mul3A_2] : memref<26x4096xi32, #tpu.memory_space<hbm>> -> memref<26x128xi32, #tpu.memory_space<hbm>>
      tpu.enqueue_dma source(%dma_start3A_388 : memref<26x128xi32, #tpu.memory_space<hbm>>) target(%arg4 : memref<26x128xi32, #tpu.memory_space<vmem>>) target_semaphore(%run_scoped3A : memref<!tpu.dma_semaphore, #tpu.memory_space<semaphore_mem>>)
      %dma_wait3A_389 = arith.constant 0 : i32
      %dma_wait3A_390 = tpu.memref_slice %arg2[%dma_wait3A_389, %mul3A_2] : memref<26x4096xi32, #tpu.memory_space<hbm>> -> memref<26x128xi32, #tpu.memory_space<hbm>>
      %dma_wait3A_391 = arith.constant 0 : i32
      %dma_wait3A_392 = tpu.memref_slice %arg2[%dma_wait3A_391, %mul3A_2] : memref<26x4096xi32, #tpu.memory_space<hbm>> -> memref<26x128xi32, #tpu.memory_space<hbm>>
      tpu.wait_dma2 semaphore(%run_scoped3A : memref<!tpu.dma_semaphore, #tpu.memory_space<semaphore_mem>>) src(%dma_wait3A_392 : memref<26x128xi32, #tpu.memory_space<hbm>>) dst(%arg4 : memref<26x128xi32, #tpu.memory_space<vmem>>)
      tpu.yield
    }) : () -> ()
    %scan3A = arith.constant 0 : i32
    %scan3A_6 = arith.constant 0 : i32
    %scan3A_7 = arith.constant 128 : i32
    %scan3A_8 = arith.addi %scan3A_6, %scan3A_7 : i32
    %scan3A_9 = arith.constant 1 : i32
    scf.for %scan3A_385 = %scan3A_6 to %scan3A_8 step %scan3A_9  : i32 {
      %swap3A = arith.constant 0 : i32
      %swap3A_386 = arith.index_cast %swap3A : i32 to index
      %swap3A_387 = arith.index_cast %scan3A_385 : i32 to index
      %swap3A_388 = arith.constant 0 : index
      %swap3A_389 = tpu.vector_load %arg5[%swap3A_386, %swap3A_387, %swap3A_388] {strides = array<i32>} : memref<4x128x128xf32, #tpu.memory_space<vmem>>, vector<16xf32>,
      tpu.vector_store %arg5[%swap3A_386, %swap3A_387, %swap3A_388], %broadcast_in_dim3A_3 {strides = array<i32>} : memref<4x128x128xf32, #tpu.memory_space<vmem>>, vector<16xf32>,
      %swap3A_390 = arith.constant 0 : i32
      %swap3A_391 = arith.index_cast %swap3A_390 : i32 to index
      %swap3A_392 = arith.index_cast %scan3A_385 : i32 to index
      %swap3A_393 = arith.constant 16 : index
      %swap3A_394 = tpu.vector_load %arg5[%swap3A_391, %swap3A_392, %swap3A_393] {strides = array<i32>} : memref<4x128x128xf32, #tpu.memory_space<vmem>>, vector<16xf32>,
      tpu.vector_store %arg5[%swap3A_391, %swap3A_392, %swap3A_393], %broadcast_in_dim3A_3 {strides = array<i32>} : memref<4x128x128xf32, #tpu.memory_space<vmem>>, vector<16xf32>,
      %swap3A_395 = arith.constant 0 : i32
      %swap3A_396 = arith.index_cast %swap3A_395 : i32 to index
      %swap3A_397 = arith.index_cast %scan3A_385 : i32 to index
      %swap3A_398 = arith.constant 32 : index
      %swap3A_399 = tpu.vector_load %arg5[%swap3A_396, %swap3A_397, %swap3A_398] {strides = array<i32>} : memref<4x128x128xf32, #tpu.memory_space<vmem>>, vector<16xf32>,
      tpu.vector_store %arg5[%swap3A_396, %swap3A_397, %swap3A_398], %broadcast_in_dim3A_3 {strides = array<i32>} : memref<4x128x128xf32, #tpu.memory_space<vmem>>, vector<16xf32>,
      %swap3A_400 = arith.constant 0 : i32
      %swap3A_401 = arith.index_cast %swap3A_400 : i32 to index
      %swap3A_402 = arith.index_cast %scan3A_385 : i32 to index
      %swap3A_403 = arith.constant 48 : index
      %swap3A_404 = tpu.vector_load %arg5[%swap3A_401, %swap3A_402, %swap3A_403] {strides = array<i32>} : memref<4x128x128xf32, #tpu.memory_space<vmem>>, vector<16xf32>,
      tpu.vector_store %arg5[%swap3A_401, %swap3A_402, %swap3A_403], %broadcast_in_dim3A_3 {strides = array<i32>} : memref<4x128x128xf32, #tpu.memory_space<vmem>>, vector<16xf32>,
      %swap3A_405 = arith.constant 0 : i32
      %swap3A_406 = arith.index_cast %swap3A_405 : i32 to index
      %swap3A_407 = arith.index_cast %scan3A_385 : i32 to index
      %swap3A_408 = arith.constant 64 : index
      %swap3A_409 = tpu.vector_load %arg5[%swap3A_406, %swap3A_407, %swap3A_408] {strides = array<i32>} : memref<4x128x128xf32, #tpu.memory_space<vmem>>, vector<16xf32>,
      tpu.vector_store %arg5[%swap3A_406, %swap3A_407, %swap3A_408], %broadcast_in_dim3A_3 {strides = array<i32>} : memref<4x128x128xf32, #tpu.memory_space<vmem>>, vector<16xf32>,
      %swap3A_410 = arith.constant 0 : i32
      %swap3A_411 = arith.index_cast %swap3A_410 : i32 to index
      %swap3A_412 = arith.index_cast %scan3A_385 : i32 to index
      %swap3A_413 = arith.constant 80 : index
      %swap3A_414 = tpu.vector_load %arg5[%swap3A_411, %swap3A_412, %swap3A_413] {strides = array<i32>} : memref<4x128x128xf32, #tpu.memory_space<vmem>>, vector<16xf32>,
      tpu.vector_store %arg5[%swap3A_411, %swap3A_412, %swap3A_413], %broadcast_in_dim3A_3 {strides = array<i32>} : memref<4x128x128xf32, #tpu.memory_space<vmem>>, vector<16xf32>,
      %swap3A_415 = arith.constant 0 : i32
      %swap3A_416 = arith.index_cast %swap3A_415 : i32 to index
      %swap3A_417 = arith.index_cast %scan3A_385 : i32 to index
      %swap3A_418 = arith.constant 96 : index
      %swap3A_419 = tpu.vector_load %arg5[%swap3A_416, %swap3A_417, %swap3A_418] {strides = array<i32>} : memref<4x128x128xf32, #tpu.memory_space<vmem>>, vector<16xf32>,
      tpu.vector_store %arg5[%swap3A_416, %swap3A_417, %swap3A_418], %broadcast_in_dim3A_3 {strides = array<i32>} : memref<4x128x128xf32, #tpu.memory_space<vmem>>, vector<16xf32>,
      %swap3A_420 = arith.constant 0 : i32
      %swap3A_421 = arith.index_cast %swap3A_420 : i32 to index
      %swap3A_422 = arith.index_cast %scan3A_385 : i32 to index
      %swap3A_423 = arith.constant 112 : index
      %swap3A_424 = tpu.vector_load %arg5[%swap3A_421, %swap3A_422, %swap3A_423] {strides = array<i32>} : memref<4x128x128xf32, #tpu.memory_space<vmem>>, vector<16xf32>,
      tpu.vector_store %arg5[%swap3A_421, %swap3A_422, %swap3A_423], %broadcast_in_dim3A_3 {strides = array<i32>} : memref<4x128x128xf32, #tpu.memory_space<vmem>>, vector<16xf32>,
    }
    %scan3A_10 = arith.constant 128 : i32
    %broadcast_in_dim3A_11 = arith.constant 0 : i32
    %broadcast_in_dim3A_12 = vector.broadcast %broadcast_in_dim3A_11 : i32 to vector<16xi32>
    %scan3A_13 = arith.constant 0 : i32
    %scan3A_14 = arith.constant 0 : i32
    %scan3A_15 = arith.constant 8 : i32
    %scan3A_16 = arith.addi %scan3A_14, %scan3A_15 : i32
    %scan3A_17 = arith.constant 1 : i32
    scf.for %scan3A_385 = %scan3A_14 to %scan3A_16 step %scan3A_17  : i32 {
      %mul3A_386 = arith.constant 16 : i32
      %mul3A_387 = arith.muli %scan3A_385, %mul3A_386 : i32
      %get3A = arith.constant 0 : i32
      %get3A_388 = arith.index_cast %get3A : i32 to index
      %get3A_389 = arith.index_cast %mul3A_387 : i32 to index
      %get3A_390 = tpu.vector_load %arg4[%get3A_388, %get3A_389] {strides = array<i32>} : memref<26x128xi32, #tpu.memory_space<vmem>>, vector<16xi32>,
      %ge3A = arith.constant 0 : i32
      %ge3A_391 = vector.broadcast %ge3A : i32 to vector<16xi32>
      %ge3A_392 = arith.cmpi sge, %get3A_390, %ge3A_391 : vector<16xi32>
      %lt3A = arith.constant 128 : i32
      %lt3A_393 = vector.broadcast %lt3A : i32 to vector<16xi32>
      %lt3A_394 = arith.cmpi slt, %get3A_390, %lt3A_393 : vector<16xi32>
      %and3A = arith.andi %ge3A_392, %lt3A_394 : vector<16xi1>
      %sub3A = arith.constant 0 : i32
      %sub3A_395 = vector.broadcast %sub3A : i32 to vector<16xi32>
      %sub3A_396 = arith.subi %get3A_390, %sub3A_395 : vector<16xi32>
      %mul3A_397 = arith.constant 16 : i32
      %mul3A_398 = arith.muli %scan3A_385, %mul3A_397 : i32
      %add3A_399 = vector.broadcast %mul3A_398 : i32 to vector<16xi32>
      %add3A_400 = arith.addi %add3A_399, %iota3A : vector<16xi32>
      tpu.vector_store_idx %arg5[%broadcast_in_dim3A_12, %sub3A_396, %add3A_400], %broadcast_in_dim3A_5 masked %and3A : memref<4x128x128xf32, #tpu.memory_space<vmem>>[vector<16xi32>, vector<16xi32>, vector<16xi32>], vector<16xf32>, vector<16xi1>
    }
    %scan3A_18 = arith.constant 8 : i32
    %dma_start3A = arith.constant 0 : i32
    %dma_start3A_19 = arith.constant 0 : i32
    %dma_start3A_20 = arith.constant 0 : i32
    %dma_start3A_21 = arith.constant 0 : i32
    %dma_start3A_22 = tpu.memref_slice %arg5[%dma_start3A, %dma_start3A_20, %dma_start3A_21] : memref<4x128x128xf32, #tpu.memory_space<vmem>> -> memref<1x128x128xf32, #tpu.memory_space<vmem>>
    %dma_start3A_23 = tpu.memref_squeeze %dma_start3A_22 : memref<1x128x128xf32, #tpu.memory_space<vmem>> -> memref<128x128xf32, #tpu.memory_space<vmem>>
    %dma_start3A_24 = arith.constant 0 : i32
    %dma_start3A_25 = tpu.memref_slice %arg3[%dma_start3A_19, %dma_start3A_24, %mul3A_2] : memref<26x1000x4096xf32, #tpu.memory_space<hbm>> -> memref<1x128x128xf32, #tpu.memory_space<hbm>>
    %dma_start3A_26 = tpu.memref_squeeze %dma_start3A_25 : memref<1x128x128xf32, #tpu.memory_space<hbm>> -> memref<128x128xf32, #tpu.memory_space<hbm>>
    %dma_start3A_27 = arith.constant 0 : i32
    %dma_start3A_28 = tpu.memref_slice %arg3[%dma_start3A_19, %dma_start3A_27, %mul3A_2] : memref<26x1000x4096xf32, #tpu.memory_space<hbm>> -> memref<1x128x128xf32, #tpu.memory_space<hbm>>
    %dma_start3A_29 = tpu.memref_squeeze %dma_start3A_28 : memref<1x128x128xf32, #tpu.memory_space<hbm>> -> memref<128x128xf32, #tpu.memory_space<hbm>>
    %dma_start3A_30 = arith.constant 0 : i32
    %dma_start3A_31 = arith.constant 0 : i32
    %dma_start3A_32 = tpu.memref_slice %arg5[%dma_start3A, %dma_start3A_30, %dma_start3A_31] : memref<4x128x128xf32, #tpu.memory_space<vmem>> -> memref<1x128x128xf32, #tpu.memory_space<vmem>>
    %dma_start3A_33 = tpu.memref_squeeze %dma_start3A_32 : memref<1x128x128xf32, #tpu.memory_space<vmem>> -> memref<128x128xf32, #tpu.memory_space<vmem>>
    tpu.enqueue_dma source(%dma_start3A_33 : memref<128x128xf32, #tpu.memory_space<vmem>>) target(%dma_start3A_29 : memref<128x128xf32, #tpu.memory_space<hbm>>) target_semaphore(%arg6 : memref<!tpu.dma_semaphore, #tpu.memory_space<semaphore_mem>>)
    %scan3A_34 = arith.constant 0 : i32
    %scan3A_35 = arith.constant 0 : i32
    %scan3A_36 = arith.constant 128 : i32
    %scan3A_37 = arith.addi %scan3A_35, %scan3A_36 : i32
    %scan3A_38 = arith.constant 1 : i32
    scf.for %scan3A_385 = %scan3A_35 to %scan3A_37 step %scan3A_38  : i32 {
      %swap3A = arith.constant 1 : i32
      %swap3A_386 = arith.index_cast %swap3A : i32 to index
      %swap3A_387 = arith.index_cast %scan3A_385 : i32 to index
      %swap3A_388 = arith.constant 0 : index
      %swap3A_389 = tpu.vector_load %arg5[%swap3A_386, %swap3A_387, %swap3A_388] {strides = array<i32>} : memref<4x128x128xf32, #tpu.memory_space<vmem>>, vector<16xf32>,
      tpu.vector_store %arg5[%swap3A_386, %swap3A_387, %swap3A_388], %broadcast_in_dim3A_3 {strides = array<i32>} : memref<4x128x128xf32, #tpu.memory_space<vmem>>, vector<16xf32>,
      %swap3A_390 = arith.constant 1 : i32
      %swap3A_391 = arith.index_cast %swap3A_390 : i32 to index
      %swap3A_392 = arith.index_cast %scan3A_385 : i32 to index
      %swap3A_393 = arith.constant 16 : index
      %swap3A_394 = tpu.vector_load %arg5[%swap3A_391, %swap3A_392, %swap3A_393] {strides = array<i32>} : memref<4x128x128xf32, #tpu.memory_space<vmem>>, vector<16xf32>,
      tpu.vector_store %arg5[%swap3A_391, %swap3A_392, %swap3A_393], %broadcast_in_dim3A_3 {strides = array<i32>} : memref<4x128x128xf32, #tpu.memory_space<vmem>>, vector<16xf32>,
      %swap3A_395 = arith.constant 1 : i32
      %swap3A_396 = arith.index_cast %swap3A_395 : i32 to index
      %swap3A_397 = arith.index_cast %scan3A_385 : i32 to index
      %swap3A_398 = arith.constant 32 : index
      %swap3A_399 = tpu.vector_load %arg5[%swap3A_396, %swap3A_397, %swap3A_398] {strides = array<i32>} : memref<4x128x128xf32, #tpu.memory_space<vmem>>, vector<16xf32>,
      tpu.vector_store %arg5[%swap3A_396, %swap3A_397, %swap3A_398], %broadcast_in_dim3A_3 {strides = array<i32>} : memref<4x128x128xf32, #tpu.memory_space<vmem>>, vector<16xf32>,
      %swap3A_400 = arith.constant 1 : i32
      %swap3A_401 = arith.index_cast %swap3A_400 : i32 to index
      %swap3A_402 = arith.index_cast %scan3A_385 : i32 to index
      %swap3A_403 = arith.constant 48 : index
      %swap3A_404 = tpu.vector_load %arg5[%swap3A_401, %swap3A_402, %swap3A_403] {strides = array<i32>} : memref<4x128x128xf32, #tpu.memory_space<vmem>>, vector<16xf32>,
      tpu.vector_store %arg5[%swap3A_401, %swap3A_402, %swap3A_403], %broadcast_in_dim3A_3 {strides = array<i32>} : memref<4x128x128xf32, #tpu.memory_space<vmem>>, vector<16xf32>,
      %swap3A_405 = arith.constant 1 : i32
      %swap3A_406 = arith.index_cast %swap3A_405 : i32 to index
      %swap3A_407 = arith.index_cast %scan3A_385 : i32 to index
      %swap3A_408 = arith.constant 64 : index
      %swap3A_409 = tpu.vector_load %arg5[%swap3A_406, %swap3A_407, %swap3A_408] {strides = array<i32>} : memref<4x128x128xf32, #tpu.memory_space<vmem>>, vector<16xf32>,
      tpu.vector_store %arg5[%swap3A_406, %swap3A_407, %swap3A_408], %broadcast_in_dim3A_3 {strides = array<i32>} : memref<4x128x128xf32, #tpu.memory_space<vmem>>, vector<16xf32>,
      %swap3A_410 = arith.constant 1 : i32
      %swap3A_411 = arith.index_cast %swap3A_410 : i32 to index
      %swap3A_412 = arith.index_cast %scan3A_385 : i32 to index
      %swap3A_413 = arith.constant 80 : index
      %swap3A_414 = tpu.vector_load %arg5[%swap3A_411, %swap3A_412, %swap3A_413] {strides = array<i32>} : memref<4x128x128xf32, #tpu.memory_space<vmem>>, vector<16xf32>,
      tpu.vector_store %arg5[%swap3A_411, %swap3A_412, %swap3A_413], %broadcast_in_dim3A_3 {strides = array<i32>} : memref<4x128x128xf32, #tpu.memory_space<vmem>>, vector<16xf32>,
      %swap3A_415 = arith.constant 1 : i32
      %swap3A_416 = arith.index_cast %swap3A_415 : i32 to index
      %swap3A_417 = arith.index_cast %scan3A_385 : i32 to index
      %swap3A_418 = arith.constant 96 : index
      %swap3A_419 = tpu.vector_load %arg5[%swap3A_416, %swap3A_417, %swap3A_418] {strides = array<i32>} : memref<4x128x128xf32, #tpu.memory_space<vmem>>, vector<16xf32>,
      tpu.vector_store %arg5[%swap3A_416, %swap3A_417, %swap3A_418], %broadcast_in_dim3A_3 {strides = array<i32>} : memref<4x128x128xf32, #tpu.memory_space<vmem>>, vector<16xf32>,
      %swap3A_420 = arith.constant 1 : i32
      %swap3A_421 = arith.index_cast %swap3A_420 : i32 to index
      %swap3A_422 = arith.index_cast %scan3A_385 : i32 to index
      %swap3A_423 = arith.constant 112 : index
      %swap3A_424 = tpu.vector_load %arg5[%swap3A_421, %swap3A_422, %swap3A_423] {strides = array<i32>} : memref<4x128x128xf32, #tpu.memory_space<vmem>>, vector<16xf32>,
      tpu.vector_store %arg5[%swap3A_421, %swap3A_422, %swap3A_423], %broadcast_in_dim3A_3 {strides = array<i32>} : memref<4x128x128xf32, #tpu.memory_space<vmem>>, vector<16xf32>,
    }
    %scan3A_39 = arith.constant 128 : i32
    %broadcast_in_dim3A_40 = arith.constant 1 : i32
    %broadcast_in_dim3A_41 = vector.broadcast %broadcast_in_dim3A_40 : i32 to vector<16xi32>
    %scan3A_42 = arith.constant 0 : i32
    %scan3A_43 = arith.constant 0 : i32
    %scan3A_44 = arith.constant 8 : i32
    %scan3A_45 = arith.addi %scan3A_43, %scan3A_44 : i32
    %scan3A_46 = arith.constant 1 : i32
    scf.for %scan3A_385 = %scan3A_43 to %scan3A_45 step %scan3A_46  : i32 {
      %mul3A_386 = arith.constant 16 : i32
      %mul3A_387 = arith.muli %scan3A_385, %mul3A_386 : i32
      %get3A = arith.constant 0 : i32
      %get3A_388 = arith.index_cast %get3A : i32 to index
      %get3A_389 = arith.index_cast %mul3A_387 : i32 to index
      %get3A_390 = tpu.vector_load %arg4[%get3A_388, %get3A_389] {strides = array<i32>} : memref<26x128xi32, #tpu.memory_space<vmem>>, vector<16xi32>,
      %ge3A = arith.constant 128 : i32
      %ge3A_391 = vector.broadcast %ge3A : i32 to vector<16xi32>
      %ge3A_392 = arith.cmpi sge, %get3A_390, %ge3A_391 : vector<16xi32>
      %lt3A = arith.constant 256 : i32
      %lt3A_393 = vector.broadcast %lt3A : i32 to vector<16xi32>
      %lt3A_394 = arith.cmpi slt, %get3A_390, %lt3A_393 : vector<16xi32>
      %and3A = arith.andi %ge3A_392, %lt3A_394 : vector<16xi1>
      %sub3A = arith.constant 128 : i32
      %sub3A_395 = vector.broadcast %sub3A : i32 to vector<16xi32>
      %sub3A_396 = arith.subi %get3A_390, %sub3A_395 : vector<16xi32>
      %mul3A_397 = arith.constant 16 : i32
      %mul3A_398 = arith.muli %scan3A_385, %mul3A_397 : i32
      %add3A_399 = vector.broadcast %mul3A_398 : i32 to vector<16xi32>
      %add3A_400 = arith.addi %add3A_399, %iota3A : vector<16xi32>
      tpu.vector_store_idx %arg5[%broadcast_in_dim3A_41, %sub3A_396, %add3A_400], %broadcast_in_dim3A_5 masked %and3A : memref<4x128x128xf32, #tpu.memory_space<vmem>>[vector<16xi32>, vector<16xi32>, vector<16xi32>], vector<16xf32>, vector<16xi1>
    }
    %scan3A_47 = arith.constant 8 : i32
    %dma_start3A_48 = arith.constant 1 : i32
    %dma_start3A_49 = arith.constant 0 : i32
    %dma_start3A_50 = arith.constant 0 : i32
    %dma_start3A_51 = arith.constant 0 : i32
    %dma_start3A_52 = tpu.memref_slice %arg5[%dma_start3A_48, %dma_start3A_50, %dma_start3A_51] : memref<4x128x128xf32, #tpu.memory_space<vmem>> -> memref<1x128x128xf32, #tpu.memory_space<vmem>>
    %dma_start3A_53 = tpu.memref_squeeze %dma_start3A_52 : memref<1x128x128xf32, #tpu.memory_space<vmem>> -> memref<128x128xf32, #tpu.memory_space<vmem>>
    %dma_start3A_54 = arith.constant 128 : i32
    %dma_start3A_55 = tpu.memref_slice %arg3[%dma_start3A_49, %dma_start3A_54, %mul3A_2] : memref<26x1000x4096xf32, #tpu.memory_space<hbm>> -> memref<1x128x128xf32, #tpu.memory_space<hbm>>
    %dma_start3A_56 = tpu.memref_squeeze %dma_start3A_55 : memref<1x128x128xf32, #tpu.memory_space<hbm>> -> memref<128x128xf32, #tpu.memory_space<hbm>>
    %dma_start3A_57 = arith.constant 128 : i32
    %dma_start3A_58 = tpu.memref_slice %arg3[%dma_start3A_49, %dma_start3A_57, %mul3A_2] : memref<26x1000x4096xf32, #tpu.memory_space<hbm>> -> memref<1x128x128xf32, #tpu.memory_space<hbm>>
    %dma_start3A_59 = tpu.memref_squeeze %dma_start3A_58 : memref<1x128x128xf32, #tpu.memory_space<hbm>> -> memref<128x128xf32, #tpu.memory_space<hbm>>
    %dma_start3A_60 = arith.constant 0 : i32
    %dma_start3A_61 = arith.constant 0 : i32
    %dma_start3A_62 = tpu.memref_slice %arg5[%dma_start3A_48, %dma_start3A_60, %dma_start3A_61] : memref<4x128x128xf32, #tpu.memory_space<vmem>> -> memref<1x128x128xf32, #tpu.memory_space<vmem>>
    %dma_start3A_63 = tpu.memref_squeeze %dma_start3A_62 : memref<1x128x128xf32, #tpu.memory_space<vmem>> -> memref<128x128xf32, #tpu.memory_space<vmem>>
    tpu.enqueue_dma source(%dma_start3A_63 : memref<128x128xf32, #tpu.memory_space<vmem>>) target(%dma_start3A_59 : memref<128x128xf32, #tpu.memory_space<hbm>>) target_semaphore(%arg7 : memref<!tpu.dma_semaphore, #tpu.memory_space<semaphore_mem>>)
    %scan3A_64 = arith.constant 0 : i32
    %scan3A_65 = arith.constant 0 : i32
    %scan3A_66 = arith.constant 128 : i32
    %scan3A_67 = arith.addi %scan3A_65, %scan3A_66 : i32
    %scan3A_68 = arith.constant 1 : i32
    scf.for %scan3A_385 = %scan3A_65 to %scan3A_67 step %scan3A_68  : i32 {
      %swap3A = arith.constant 2 : i32
      %swap3A_386 = arith.index_cast %swap3A : i32 to index
      %swap3A_387 = arith.index_cast %scan3A_385 : i32 to index
      %swap3A_388 = arith.constant 0 : index
      %swap3A_389 = tpu.vector_load %arg5[%swap3A_386, %swap3A_387, %swap3A_388] {strides = array<i32>} : memref<4x128x128xf32, #tpu.memory_space<vmem>>, vector<16xf32>,
      tpu.vector_store %arg5[%swap3A_386, %swap3A_387, %swap3A_388], %broadcast_in_dim3A_3 {strides = array<i32>} : memref<4x128x128xf32, #tpu.memory_space<vmem>>, vector<16xf32>,
      %swap3A_390 = arith.constant 2 : i32
      %swap3A_391 = arith.index_cast %swap3A_390 : i32 to index
      %swap3A_392 = arith.index_cast %scan3A_385 : i32 to index
      %swap3A_393 = arith.constant 16 : index
      %swap3A_394 = tpu.vector_load %arg5[%swap3A_391, %swap3A_392, %swap3A_393] {strides = array<i32>} : memref<4x128x128xf32, #tpu.memory_space<vmem>>, vector<16xf32>,
      tpu.vector_store %arg5[%swap3A_391, %swap3A_392, %swap3A_393], %broadcast_in_dim3A_3 {strides = array<i32>} : memref<4x128x128xf32, #tpu.memory_space<vmem>>, vector<16xf32>,
      %swap3A_395 = arith.constant 2 : i32
      %swap3A_396 = arith.index_cast %swap3A_395 : i32 to index
      %swap3A_397 = arith.index_cast %scan3A_385 : i32 to index
      %swap3A_398 = arith.constant 32 : index
      %swap3A_399 = tpu.vector_load %arg5[%swap3A_396, %swap3A_397, %swap3A_398] {strides = array<i32>} : memref<4x128x128xf32, #tpu.memory_space<vmem>>, vector<16xf32>,
      tpu.vector_store %arg5[%swap3A_396, %swap3A_397, %swap3A_398], %broadcast_in_dim3A_3 {strides = array<i32>} : memref<4x128x128xf32, #tpu.memory_space<vmem>>, vector<16xf32>,
      %swap3A_400 = arith.constant 2 : i32
      %swap3A_401 = arith.index_cast %swap3A_400 : i32 to index
      %swap3A_402 = arith.index_cast %scan3A_385 : i32 to index
      %swap3A_403 = arith.constant 48 : index
      %swap3A_404 = tpu.vector_load %arg5[%swap3A_401, %swap3A_402, %swap3A_403] {strides = array<i32>} : memref<4x128x128xf32, #tpu.memory_space<vmem>>, vector<16xf32>,
      tpu.vector_store %arg5[%swap3A_401, %swap3A_402, %swap3A_403], %broadcast_in_dim3A_3 {strides = array<i32>} : memref<4x128x128xf32, #tpu.memory_space<vmem>>, vector<16xf32>,
      %swap3A_405 = arith.constant 2 : i32
      %swap3A_406 = arith.index_cast %swap3A_405 : i32 to index
      %swap3A_407 = arith.index_cast %scan3A_385 : i32 to index
      %swap3A_408 = arith.constant 64 : index
      %swap3A_409 = tpu.vector_load %arg5[%swap3A_406, %swap3A_407, %swap3A_408] {strides = array<i32>} : memref<4x128x128xf32, #tpu.memory_space<vmem>>, vector<16xf32>,
      tpu.vector_store %arg5[%swap3A_406, %swap3A_407, %swap3A_408], %broadcast_in_dim3A_3 {strides = array<i32>} : memref<4x128x128xf32, #tpu.memory_space<vmem>>, vector<16xf32>,
      %swap3A_410 = arith.constant 2 : i32
      %swap3A_411 = arith.index_cast %swap3A_410 : i32 to index
      %swap3A_412 = arith.index_cast %scan3A_385 : i32 to index
      %swap3A_413 = arith.constant 80 : index
      %swap3A_414 = tpu.vector_load %arg5[%swap3A_411, %swap3A_412, %swap3A_413] {strides = array<i32>} : memref<4x128x128xf32, #tpu.memory_space<vmem>>, vector<16xf32>,
      tpu.vector_store %arg5[%swap3A_411, %swap3A_412, %swap3A_413], %broadcast_in_dim3A_3 {strides = array<i32>} : memref<4x128x128xf32, #tpu.memory_space<vmem>>, vector<16xf32>,
      %swap3A_415 = arith.constant 2 : i32
      %swap3A_416 = arith.index_cast %swap3A_415 : i32 to index
      %swap3A_417 = arith.index_cast %scan3A_385 : i32 to index
      %swap3A_418 = arith.constant 96 : index
      %swap3A_419 = tpu.vector_load %arg5[%swap3A_416, %swap3A_417, %swap3A_418] {strides = array<i32>} : memref<4x128x128xf32, #tpu.memory_space<vmem>>, vector<16xf32>,
      tpu.vector_store %arg5[%swap3A_416, %swap3A_417, %swap3A_418], %broadcast_in_dim3A_3 {strides = array<i32>} : memref<4x128x128xf32, #tpu.memory_space<vmem>>, vector<16xf32>,
      %swap3A_420 = arith.constant 2 : i32
      %swap3A_421 = arith.index_cast %swap3A_420 : i32 to index
      %swap3A_422 = arith.index_cast %scan3A_385 : i32 to index
      %swap3A_423 = arith.constant 112 : index
      %swap3A_424 = tpu.vector_load %arg5[%swap3A_421, %swap3A_422, %swap3A_423] {strides = array<i32>} : memref<4x128x128xf32, #tpu.memory_space<vmem>>, vector<16xf32>,
      tpu.vector_store %arg5[%swap3A_421, %swap3A_422, %swap3A_423], %broadcast_in_dim3A_3 {strides = array<i32>} : memref<4x128x128xf32, #tpu.memory_space<vmem>>, vector<16xf32>,
    }
    %scan3A_69 = arith.constant 128 : i32
    %broadcast_in_dim3A_70 = arith.constant 2 : i32
    %broadcast_in_dim3A_71 = vector.broadcast %broadcast_in_dim3A_70 : i32 to vector<16xi32>
    %scan3A_72 = arith.constant 0 : i32
    %scan3A_73 = arith.constant 0 : i32
    %scan3A_74 = arith.constant 8 : i32
    %scan3A_75 = arith.addi %scan3A_73, %scan3A_74 : i32
    %scan3A_76 = arith.constant 1 : i32
    scf.for %scan3A_385 = %scan3A_73 to %scan3A_75 step %scan3A_76  : i32 {
      %mul3A_386 = arith.constant 16 : i32
      %mul3A_387 = arith.muli %scan3A_385, %mul3A_386 : i32
      %get3A = arith.constant 0 : i32
      %get3A_388 = arith.index_cast %get3A : i32 to index
      %get3A_389 = arith.index_cast %mul3A_387 : i32 to index
      %get3A_390 = tpu.vector_load %arg4[%get3A_388, %get3A_389] {strides = array<i32>} : memref<26x128xi32, #tpu.memory_space<vmem>>, vector<16xi32>,
      %ge3A = arith.constant 256 : i32
      %ge3A_391 = vector.broadcast %ge3A : i32 to vector<16xi32>
      %ge3A_392 = arith.cmpi sge, %get3A_390, %ge3A_391 : vector<16xi32>
      %lt3A = arith.constant 384 : i32
      %lt3A_393 = vector.broadcast %lt3A : i32 to vector<16xi32>
      %lt3A_394 = arith.cmpi slt, %get3A_390, %lt3A_393 : vector<16xi32>
      %and3A = arith.andi %ge3A_392, %lt3A_394 : vector<16xi1>
      %sub3A = arith.constant 256 : i32
      %sub3A_395 = vector.broadcast %sub3A : i32 to vector<16xi32>
      %sub3A_396 = arith.subi %get3A_390, %sub3A_395 : vector<16xi32>
      %mul3A_397 = arith.constant 16 : i32
      %mul3A_398 = arith.muli %scan3A_385, %mul3A_397 : i32
      %add3A_399 = vector.broadcast %mul3A_398 : i32 to vector<16xi32>
      %add3A_400 = arith.addi %add3A_399, %iota3A : vector<16xi32>
      tpu.vector_store_idx %arg5[%broadcast_in_dim3A_71, %sub3A_396, %add3A_400], %broadcast_in_dim3A_5 masked %and3A : memref<4x128x128xf32, #tpu.memory_space<vmem>>[vector<16xi32>, vector<16xi32>, vector<16xi32>], vector<16xf32>, vector<16xi1>
    }
    %scan3A_77 = arith.constant 8 : i32
    %dma_start3A_78 = arith.constant 2 : i32
    %dma_start3A_79 = arith.constant 0 : i32
    %dma_start3A_80 = arith.constant 0 : i32
    %dma_start3A_81 = arith.constant 0 : i32
    %dma_start3A_82 = tpu.memref_slice %arg5[%dma_start3A_78, %dma_start3A_80, %dma_start3A_81] : memref<4x128x128xf32, #tpu.memory_space<vmem>> -> memref<1x128x128xf32, #tpu.memory_space<vmem>>
    %dma_start3A_83 = tpu.memref_squeeze %dma_start3A_82 : memref<1x128x128xf32, #tpu.memory_space<vmem>> -> memref<128x128xf32, #tpu.memory_space<vmem>>
    %dma_start3A_84 = arith.constant 256 : i32
    %dma_start3A_85 = tpu.memref_slice %arg3[%dma_start3A_79, %dma_start3A_84, %mul3A_2] : memref<26x1000x4096xf32, #tpu.memory_space<hbm>> -> memref<1x128x128xf32, #tpu.memory_space<hbm>>
    %dma_start3A_86 = tpu.memref_squeeze %dma_start3A_85 : memref<1x128x128xf32, #tpu.memory_space<hbm>> -> memref<128x128xf32, #tpu.memory_space<hbm>>
    %dma_start3A_87 = arith.constant 256 : i32
    %dma_start3A_88 = tpu.memref_slice %arg3[%dma_start3A_79, %dma_start3A_87, %mul3A_2] : memref<26x1000x4096xf32, #tpu.memory_space<hbm>> -> memref<1x128x128xf32, #tpu.memory_space<hbm>>
    %dma_start3A_89 = tpu.memref_squeeze %dma_start3A_88 : memref<1x128x128xf32, #tpu.memory_space<hbm>> -> memref<128x128xf32, #tpu.memory_space<hbm>>
    %dma_start3A_90 = arith.constant 0 : i32
    %dma_start3A_91 = arith.constant 0 : i32
    %dma_start3A_92 = tpu.memref_slice %arg5[%dma_start3A_78, %dma_start3A_90, %dma_start3A_91] : memref<4x128x128xf32, #tpu.memory_space<vmem>> -> memref<1x128x128xf32, #tpu.memory_space<vmem>>
    %dma_start3A_93 = tpu.memref_squeeze %dma_start3A_92 : memref<1x128x128xf32, #tpu.memory_space<vmem>> -> memref<128x128xf32, #tpu.memory_space<vmem>>
    tpu.enqueue_dma source(%dma_start3A_93 : memref<128x128xf32, #tpu.memory_space<vmem>>) target(%dma_start3A_89 : memref<128x128xf32, #tpu.memory_space<hbm>>) target_semaphore(%arg8 : memref<!tpu.dma_semaphore, #tpu.memory_space<semaphore_mem>>)
    %scan3A_94 = arith.constant 0 : i32
    %scan3A_95 = arith.constant 0 : i32
    %scan3A_96 = arith.constant 128 : i32
    %scan3A_97 = arith.addi %scan3A_95, %scan3A_96 : i32
    %scan3A_98 = arith.constant 1 : i32
    scf.for %scan3A_385 = %scan3A_95 to %scan3A_97 step %scan3A_98  : i32 {
      %swap3A = arith.constant 3 : i32
      %swap3A_386 = arith.index_cast %swap3A : i32 to index
      %swap3A_387 = arith.index_cast %scan3A_385 : i32 to index
      %swap3A_388 = arith.constant 0 : index
      %swap3A_389 = tpu.vector_load %arg5[%swap3A_386, %swap3A_387, %swap3A_388] {strides = array<i32>} : memref<4x128x128xf32, #tpu.memory_space<vmem>>, vector<16xf32>,
      tpu.vector_store %arg5[%swap3A_386, %swap3A_387, %swap3A_388], %broadcast_in_dim3A_3 {strides = array<i32>} : memref<4x128x128xf32, #tpu.memory_space<vmem>>, vector<16xf32>,
      %swap3A_390 = arith.constant 3 : i32
      %swap3A_391 = arith.index_cast %swap3A_390 : i32 to index
      %swap3A_392 = arith.index_cast %scan3A_385 : i32 to index
      %swap3A_393 = arith.constant 16 : index
      %swap3A_394 = tpu.vector_load %arg5[%swap3A_391, %swap3A_392, %swap3A_393] {strides = array<i32>} : memref<4x128x128xf32, #tpu.memory_space<vmem>>, vector<16xf32>,
      tpu.vector_store %arg5[%swap3A_391, %swap3A_392, %swap3A_393], %broadcast_in_dim3A_3 {strides = array<i32>} : memref<4x128x128xf32, #tpu.memory_space<vmem>>, vector<16xf32>,
      %swap3A_395 = arith.constant 3 : i32
      %swap3A_396 = arith.index_cast %swap3A_395 : i32 to index
      %swap3A_397 = arith.index_cast %scan3A_385 : i32 to index
      %swap3A_398 = arith.constant 32 : index
      %swap3A_399 = tpu.vector_load %arg5[%swap3A_396, %swap3A_397, %swap3A_398] {strides = array<i32>} : memref<4x128x128xf32, #tpu.memory_space<vmem>>, vector<16xf32>,
      tpu.vector_store %arg5[%swap3A_396, %swap3A_397, %swap3A_398], %broadcast_in_dim3A_3 {strides = array<i32>} : memref<4x128x128xf32, #tpu.memory_space<vmem>>, vector<16xf32>,
      %swap3A_400 = arith.constant 3 : i32
      %swap3A_401 = arith.index_cast %swap3A_400 : i32 to index
      %swap3A_402 = arith.index_cast %scan3A_385 : i32 to index
      %swap3A_403 = arith.constant 48 : index
      %swap3A_404 = tpu.vector_load %arg5[%swap3A_401, %swap3A_402, %swap3A_403] {strides = array<i32>} : memref<4x128x128xf32, #tpu.memory_space<vmem>>, vector<16xf32>,
      tpu.vector_store %arg5[%swap3A_401, %swap3A_402, %swap3A_403], %broadcast_in_dim3A_3 {strides = array<i32>} : memref<4x128x128xf32, #tpu.memory_space<vmem>>, vector<16xf32>,
      %swap3A_405 = arith.constant 3 : i32
      %swap3A_406 = arith.index_cast %swap3A_405 : i32 to index
      %swap3A_407 = arith.index_cast %scan3A_385 : i32 to index
      %swap3A_408 = arith.constant 64 : index
      %swap3A_409 = tpu.vector_load %arg5[%swap3A_406, %swap3A_407, %swap3A_408] {strides = array<i32>} : memref<4x128x128xf32, #tpu.memory_space<vmem>>, vector<16xf32>,
      tpu.vector_store %arg5[%swap3A_406, %swap3A_407, %swap3A_408], %broadcast_in_dim3A_3 {strides = array<i32>} : memref<4x128x128xf32, #tpu.memory_space<vmem>>, vector<16xf32>,
      %swap3A_410 = arith.constant 3 : i32
      %swap3A_411 = arith.index_cast %swap3A_410 : i32 to index
      %swap3A_412 = arith.index_cast %scan3A_385 : i32 to index
      %swap3A_413 = arith.constant 80 : index
      %swap3A_414 = tpu.vector_load %arg5[%swap3A_411, %swap3A_412, %swap3A_413] {strides = array<i32>} : memref<4x128x128xf32, #tpu.memory_space<vmem>>, vector<16xf32>,
      tpu.vector_store %arg5[%swap3A_411, %swap3A_412, %swap3A_413], %broadcast_in_dim3A_3 {strides = array<i32>} : memref<4x128x128xf32, #tpu.memory_space<vmem>>, vector<16xf32>,
      %swap3A_415 = arith.constant 3 : i32
      %swap3A_416 = arith.index_cast %swap3A_415 : i32 to index
      %swap3A_417 = arith.index_cast %scan3A_385 : i32 to index
      %swap3A_418 = arith.constant 96 : index
      %swap3A_419 = tpu.vector_load %arg5[%swap3A_416, %swap3A_417, %swap3A_418] {strides = array<i32>} : memref<4x128x128xf32, #tpu.memory_space<vmem>>, vector<16xf32>,
      tpu.vector_store %arg5[%swap3A_416, %swap3A_417, %swap3A_418], %broadcast_in_dim3A_3 {strides = array<i32>} : memref<4x128x128xf32, #tpu.memory_space<vmem>>, vector<16xf32>,
      %swap3A_420 = arith.constant 3 : i32
      %swap3A_421 = arith.index_cast %swap3A_420 : i32 to index
      %swap3A_422 = arith.index_cast %scan3A_385 : i32 to index
      %swap3A_423 = arith.constant 112 : index
      %swap3A_424 = tpu.vector_load %arg5[%swap3A_421, %swap3A_422, %swap3A_423] {strides = array<i32>} : memref<4x128x128xf32, #tpu.memory_space<vmem>>, vector<16xf32>,
      tpu.vector_store %arg5[%swap3A_421, %swap3A_422, %swap3A_423], %broadcast_in_dim3A_3 {strides = array<i32>} : memref<4x128x128xf32, #tpu.memory_space<vmem>>, vector<16xf32>,
    }
    %scan3A_99 = arith.constant 128 : i32
    %broadcast_in_dim3A_100 = arith.constant 3 : i32
    %broadcast_in_dim3A_101 = vector.broadcast %broadcast_in_dim3A_100 : i32 to vector<16xi32>
    %scan3A_102 = arith.constant 0 : i32
    %scan3A_103 = arith.constant 0 : i32
    %scan3A_104 = arith.constant 8 : i32
    %scan3A_105 = arith.addi %scan3A_103, %scan3A_104 : i32
    %scan3A_106 = arith.constant 1 : i32
    scf.for %scan3A_385 = %scan3A_103 to %scan3A_105 step %scan3A_106  : i32 {
      %mul3A_386 = arith.constant 16 : i32
      %mul3A_387 = arith.muli %scan3A_385, %mul3A_386 : i32
      %get3A = arith.constant 0 : i32
      %get3A_388 = arith.index_cast %get3A : i32 to index
      %get3A_389 = arith.index_cast %mul3A_387 : i32 to index
      %get3A_390 = tpu.vector_load %arg4[%get3A_388, %get3A_389] {strides = array<i32>} : memref<26x128xi32, #tpu.memory_space<vmem>>, vector<16xi32>,
      %ge3A = arith.constant 384 : i32
      %ge3A_391 = vector.broadcast %ge3A : i32 to vector<16xi32>
      %ge3A_392 = arith.cmpi sge, %get3A_390, %ge3A_391 : vector<16xi32>
      %lt3A = arith.constant 512 : i32
      %lt3A_393 = vector.broadcast %lt3A : i32 to vector<16xi32>
      %lt3A_394 = arith.cmpi slt, %get3A_390, %lt3A_393 : vector<16xi32>
      %and3A = arith.andi %ge3A_392, %lt3A_394 : vector<16xi1>
      %sub3A = arith.constant 384 : i32
      %sub3A_395 = vector.broadcast %sub3A : i32 to vector<16xi32>
      %sub3A_396 = arith.subi %get3A_390, %sub3A_395 : vector<16xi32>
      %mul3A_397 = arith.constant 16 : i32
      %mul3A_398 = arith.muli %scan3A_385, %mul3A_397 : i32
      %add3A_399 = vector.broadcast %mul3A_398 : i32 to vector<16xi32>
      %add3A_400 = arith.addi %add3A_399, %iota3A : vector<16xi32>
      tpu.vector_store_idx %arg5[%broadcast_in_dim3A_101, %sub3A_396, %add3A_400], %broadcast_in_dim3A_5 masked %and3A : memref<4x128x128xf32, #tpu.memory_space<vmem>>[vector<16xi32>, vector<16xi32>, vector<16xi32>], vector<16xf32>, vector<16xi1>
    }
    %scan3A_107 = arith.constant 8 : i32
    %dma_start3A_108 = arith.constant 3 : i32
    %dma_start3A_109 = arith.constant 0 : i32
    %dma_start3A_110 = arith.constant 0 : i32
    %dma_start3A_111 = arith.constant 0 : i32
    %dma_start3A_112 = tpu.memref_slice %arg5[%dma_start3A_108, %dma_start3A_110, %dma_start3A_111] : memref<4x128x128xf32, #tpu.memory_space<vmem>> -> memref<1x128x128xf32, #tpu.memory_space<vmem>>
    %dma_start3A_113 = tpu.memref_squeeze %dma_start3A_112 : memref<1x128x128xf32, #tpu.memory_space<vmem>> -> memref<128x128xf32, #tpu.memory_space<vmem>>
    %dma_start3A_114 = arith.constant 384 : i32
    %dma_start3A_115 = tpu.memref_slice %arg3[%dma_start3A_109, %dma_start3A_114, %mul3A_2] : memref<26x1000x4096xf32, #tpu.memory_space<hbm>> -> memref<1x128x128xf32, #tpu.memory_space<hbm>>
    %dma_start3A_116 = tpu.memref_squeeze %dma_start3A_115 : memref<1x128x128xf32, #tpu.memory_space<hbm>> -> memref<128x128xf32, #tpu.memory_space<hbm>>
    %dma_start3A_117 = arith.constant 384 : i32
    %dma_start3A_118 = tpu.memref_slice %arg3[%dma_start3A_109, %dma_start3A_117, %mul3A_2] : memref<26x1000x4096xf32, #tpu.memory_space<hbm>> -> memref<1x128x128xf32, #tpu.memory_space<hbm>>
    %dma_start3A_119 = tpu.memref_squeeze %dma_start3A_118 : memref<1x128x128xf32, #tpu.memory_space<hbm>> -> memref<128x128xf32, #tpu.memory_space<hbm>>
    %dma_start3A_120 = arith.constant 0 : i32
    %dma_start3A_121 = arith.constant 0 : i32
    %dma_start3A_122 = tpu.memref_slice %arg5[%dma_start3A_108, %dma_start3A_120, %dma_start3A_121] : memref<4x128x128xf32, #tpu.memory_space<vmem>> -> memref<1x128x128xf32, #tpu.memory_space<vmem>>
    %dma_start3A_123 = tpu.memref_squeeze %dma_start3A_122 : memref<1x128x128xf32, #tpu.memory_space<vmem>> -> memref<128x128xf32, #tpu.memory_space<vmem>>
    tpu.enqueue_dma source(%dma_start3A_123 : memref<128x128xf32, #tpu.memory_space<vmem>>) target(%dma_start3A_119 : memref<128x128xf32, #tpu.memory_space<hbm>>) target_semaphore(%arg9 : memref<!tpu.dma_semaphore, #tpu.memory_space<semaphore_mem>>)
    %dma_wait3A = arith.constant 0 : i32
    %dma_wait3A_124 = arith.constant 0 : i32
    %dma_wait3A_125 = arith.constant 0 : i32
    %dma_wait3A_126 = arith.constant 0 : i32
    %dma_wait3A_127 = tpu.memref_slice %arg5[%dma_wait3A, %dma_wait3A_125, %dma_wait3A_126] : memref<4x128x128xf32, #tpu.memory_space<vmem>> -> memref<1x128x128xf32, #tpu.memory_space<vmem>>
    %dma_wait3A_128 = tpu.memref_squeeze %dma_wait3A_127 : memref<1x128x128xf32, #tpu.memory_space<vmem>> -> memref<128x128xf32, #tpu.memory_space<vmem>>
    %dma_wait3A_129 = arith.constant 0 : i32
    %dma_wait3A_130 = tpu.memref_slice %arg3[%dma_wait3A_124, %dma_wait3A_129, %mul3A_2] : memref<26x1000x4096xf32, #tpu.memory_space<hbm>> -> memref<1x128x128xf32, #tpu.memory_space<hbm>>
    %dma_wait3A_131 = tpu.memref_squeeze %dma_wait3A_130 : memref<1x128x128xf32, #tpu.memory_space<hbm>> -> memref<128x128xf32, #tpu.memory_space<hbm>>
    %dma_wait3A_132 = arith.constant 0 : i32
    %dma_wait3A_133 = tpu.memref_slice %arg3[%dma_wait3A_124, %dma_wait3A_132, %mul3A_2] : memref<26x1000x4096xf32, #tpu.memory_space<hbm>> -> memref<1x128x128xf32, #tpu.memory_space<hbm>>
    %dma_wait3A_134 = tpu.memref_squeeze %dma_wait3A_133 : memref<1x128x128xf32, #tpu.memory_space<hbm>> -> memref<128x128xf32, #tpu.memory_space<hbm>>
    %dma_wait3A_135 = arith.constant 0 : i32
    %dma_wait3A_136 = arith.constant 0 : i32
    %dma_wait3A_137 = tpu.memref_slice %arg5[%dma_wait3A, %dma_wait3A_135, %dma_wait3A_136] : memref<4x128x128xf32, #tpu.memory_space<vmem>> -> memref<1x128x128xf32, #tpu.memory_space<vmem>>
    %dma_wait3A_138 = tpu.memref_squeeze %dma_wait3A_137 : memref<1x128x128xf32, #tpu.memory_space<vmem>> -> memref<128x128xf32, #tpu.memory_space<vmem>>
    tpu.wait_dma2 semaphore(%arg6 : memref<!tpu.dma_semaphore, #tpu.memory_space<semaphore_mem>>) src(%dma_wait3A_138 : memref<128x128xf32, #tpu.memory_space<vmem>>) dst(%dma_wait3A_134 : memref<128x128xf32, #tpu.memory_space<hbm>>)
    %broadcast_in_dim3A_139 = arith.constant 0 : i32
    %broadcast_in_dim3A_140 = vector.broadcast %broadcast_in_dim3A_139 : i32 to vector<16xi32>
    %scan3A_141 = arith.constant 0 : i32
    %scan3A_142 = arith.constant 0 : i32
    %scan3A_143 = arith.constant 8 : i32
    %scan3A_144 = arith.addi %scan3A_142, %scan3A_143 : i32
    %scan3A_145 = arith.constant 1 : i32
    scf.for %scan3A_385 = %scan3A_142 to %scan3A_144 step %scan3A_145  : i32 {
      %mul3A_386 = arith.constant 16 : i32
      %mul3A_387 = arith.muli %scan3A_385, %mul3A_386 : i32
      %get3A = arith.constant 0 : i32
      %get3A_388 = arith.index_cast %get3A : i32 to index
      %get3A_389 = arith.index_cast %mul3A_387 : i32 to index
      %get3A_390 = tpu.vector_load %arg4[%get3A_388, %get3A_389] {strides = array<i32>} : memref<26x128xi32, #tpu.memory_space<vmem>>, vector<16xi32>,
      %ge3A = arith.constant 0 : i32
      %ge3A_391 = vector.broadcast %ge3A : i32 to vector<16xi32>
      %ge3A_392 = arith.cmpi sge, %get3A_390, %ge3A_391 : vector<16xi32>
      %lt3A = arith.constant 128 : i32
      %lt3A_393 = vector.broadcast %lt3A : i32 to vector<16xi32>
      %lt3A_394 = arith.cmpi slt, %get3A_390, %lt3A_393 : vector<16xi32>
      %and3A = arith.andi %ge3A_392, %lt3A_394 : vector<16xi1>
      %sub3A = arith.constant 0 : i32
      %sub3A_395 = vector.broadcast %sub3A : i32 to vector<16xi32>
      %sub3A_396 = arith.subi %get3A_390, %sub3A_395 : vector<16xi32>
      %mul3A_397 = arith.constant 16 : i32
      %mul3A_398 = arith.muli %scan3A_385, %mul3A_397 : i32
      %add3A_399 = vector.broadcast %mul3A_398 : i32 to vector<16xi32>
      %add3A_400 = arith.addi %add3A_399, %iota3A : vector<16xi32>
      tpu.vector_store_idx %arg5[%broadcast_in_dim3A_140, %sub3A_396, %add3A_400], %broadcast_in_dim3A_3 masked %and3A : memref<4x128x128xf32, #tpu.memory_space<vmem>>[vector<16xi32>, vector<16xi32>, vector<16xi32>], vector<16xf32>, vector<16xi1>
    }
    %scan3A_146 = arith.constant 8 : i32
    %broadcast_in_dim3A_147 = arith.constant 0 : i32
    %broadcast_in_dim3A_148 = vector.broadcast %broadcast_in_dim3A_147 : i32 to vector<16xi32>
    %scan3A_149 = arith.constant 0 : i32
    %scan3A_150 = arith.constant 0 : i32
    %scan3A_151 = arith.constant 8 : i32
    %scan3A_152 = arith.addi %scan3A_150, %scan3A_151 : i32
    %scan3A_153 = arith.constant 1 : i32
    scf.for %scan3A_385 = %scan3A_150 to %scan3A_152 step %scan3A_153  : i32 {
      %mul3A_386 = arith.constant 16 : i32
      %mul3A_387 = arith.muli %scan3A_385, %mul3A_386 : i32
      %get3A = arith.constant 0 : i32
      %get3A_388 = arith.index_cast %get3A : i32 to index
      %get3A_389 = arith.index_cast %mul3A_387 : i32 to index
      %get3A_390 = tpu.vector_load %arg4[%get3A_388, %get3A_389] {strides = array<i32>} : memref<26x128xi32, #tpu.memory_space<vmem>>, vector<16xi32>,
      %ge3A = arith.constant 512 : i32
      %ge3A_391 = vector.broadcast %ge3A : i32 to vector<16xi32>
      %ge3A_392 = arith.cmpi sge, %get3A_390, %ge3A_391 : vector<16xi32>
      %lt3A = arith.constant 640 : i32
      %lt3A_393 = vector.broadcast %lt3A : i32 to vector<16xi32>
      %lt3A_394 = arith.cmpi slt, %get3A_390, %lt3A_393 : vector<16xi32>
      %and3A = arith.andi %ge3A_392, %lt3A_394 : vector<16xi1>
      %sub3A = arith.constant 512 : i32
      %sub3A_395 = vector.broadcast %sub3A : i32 to vector<16xi32>
      %sub3A_396 = arith.subi %get3A_390, %sub3A_395 : vector<16xi32>
      %mul3A_397 = arith.constant 16 : i32
      %mul3A_398 = arith.muli %scan3A_385, %mul3A_397 : i32
      %add3A_399 = vector.broadcast %mul3A_398 : i32 to vector<16xi32>
      %add3A_400 = arith.addi %add3A_399, %iota3A : vector<16xi32>
      tpu.vector_store_idx %arg5[%broadcast_in_dim3A_148, %sub3A_396, %add3A_400], %broadcast_in_dim3A_5 masked %and3A : memref<4x128x128xf32, #tpu.memory_space<vmem>>[vector<16xi32>, vector<16xi32>, vector<16xi32>], vector<16xf32>, vector<16xi1>
    }
    %scan3A_154 = arith.constant 8 : i32
    %dma_start3A_155 = arith.constant 0 : i32
    %dma_start3A_156 = arith.constant 0 : i32
    %dma_start3A_157 = arith.constant 0 : i32
    %dma_start3A_158 = arith.constant 0 : i32
    %dma_start3A_159 = tpu.memref_slice %arg5[%dma_start3A_155, %dma_start3A_157, %dma_start3A_158] : memref<4x128x128xf32, #tpu.memory_space<vmem>> -> memref<1x128x128xf32, #tpu.memory_space<vmem>>
    %dma_start3A_160 = tpu.memref_squeeze %dma_start3A_159 : memref<1x128x128xf32, #tpu.memory_space<vmem>> -> memref<128x128xf32, #tpu.memory_space<vmem>>
    %dma_start3A_161 = arith.constant 512 : i32
    %dma_start3A_162 = tpu.memref_slice %arg3[%dma_start3A_156, %dma_start3A_161, %mul3A_2] : memref<26x1000x4096xf32, #tpu.memory_space<hbm>> -> memref<1x128x128xf32, #tpu.memory_space<hbm>>
    %dma_start3A_163 = tpu.memref_squeeze %dma_start3A_162 : memref<1x128x128xf32, #tpu.memory_space<hbm>> -> memref<128x128xf32, #tpu.memory_space<hbm>>
    %dma_start3A_164 = arith.constant 512 : i32
    %dma_start3A_165 = tpu.memref_slice %arg3[%dma_start3A_156, %dma_start3A_164, %mul3A_2] : memref<26x1000x4096xf32, #tpu.memory_space<hbm>> -> memref<1x128x128xf32, #tpu.memory_space<hbm>>
    %dma_start3A_166 = tpu.memref_squeeze %dma_start3A_165 : memref<1x128x128xf32, #tpu.memory_space<hbm>> -> memref<128x128xf32, #tpu.memory_space<hbm>>
    %dma_start3A_167 = arith.constant 0 : i32
    %dma_start3A_168 = arith.constant 0 : i32
    %dma_start3A_169 = tpu.memref_slice %arg5[%dma_start3A_155, %dma_start3A_167, %dma_start3A_168] : memref<4x128x128xf32, #tpu.memory_space<vmem>> -> memref<1x128x128xf32, #tpu.memory_space<vmem>>
    %dma_start3A_170 = tpu.memref_squeeze %dma_start3A_169 : memref<1x128x128xf32, #tpu.memory_space<vmem>> -> memref<128x128xf32, #tpu.memory_space<vmem>>
    tpu.enqueue_dma source(%dma_start3A_170 : memref<128x128xf32, #tpu.memory_space<vmem>>) target(%dma_start3A_166 : memref<128x128xf32, #tpu.memory_space<hbm>>) target_semaphore(%arg6 : memref<!tpu.dma_semaphore, #tpu.memory_space<semaphore_mem>>)
    %dma_wait3A_171 = arith.constant 1 : i32
    %dma_wait3A_172 = arith.constant 0 : i32
    %dma_wait3A_173 = arith.constant 0 : i32
    %dma_wait3A_174 = arith.constant 0 : i32
    %dma_wait3A_175 = tpu.memref_slice %arg5[%dma_wait3A_171, %dma_wait3A_173, %dma_wait3A_174] : memref<4x128x128xf32, #tpu.memory_space<vmem>> -> memref<1x128x128xf32, #tpu.memory_space<vmem>>
    %dma_wait3A_176 = tpu.memref_squeeze %dma_wait3A_175 : memref<1x128x128xf32, #tpu.memory_space<vmem>> -> memref<128x128xf32, #tpu.memory_space<vmem>>
    %dma_wait3A_177 = arith.constant 128 : i32
    %dma_wait3A_178 = tpu.memref_slice %arg3[%dma_wait3A_172, %dma_wait3A_177, %mul3A_2] : memref<26x1000x4096xf32, #tpu.memory_space<hbm>> -> memref<1x128x128xf32, #tpu.memory_space<hbm>>
    %dma_wait3A_179 = tpu.memref_squeeze %dma_wait3A_178 : memref<1x128x128xf32, #tpu.memory_space<hbm>> -> memref<128x128xf32, #tpu.memory_space<hbm>>
    %dma_wait3A_180 = arith.constant 128 : i32
    %dma_wait3A_181 = tpu.memref_slice %arg3[%dma_wait3A_172, %dma_wait3A_180, %mul3A_2] : memref<26x1000x4096xf32, #tpu.memory_space<hbm>> -> memref<1x128x128xf32, #tpu.memory_space<hbm>>
    %dma_wait3A_182 = tpu.memref_squeeze %dma_wait3A_181 : memref<1x128x128xf32, #tpu.memory_space<hbm>> -> memref<128x128xf32, #tpu.memory_space<hbm>>
    %dma_wait3A_183 = arith.constant 0 : i32
    %dma_wait3A_184 = arith.constant 0 : i32
    %dma_wait3A_185 = tpu.memref_slice %arg5[%dma_wait3A_171, %dma_wait3A_183, %dma_wait3A_184] : memref<4x128x128xf32, #tpu.memory_space<vmem>> -> memref<1x128x128xf32, #tpu.memory_space<vmem>>
    %dma_wait3A_186 = tpu.memref_squeeze %dma_wait3A_185 : memref<1x128x128xf32, #tpu.memory_space<vmem>> -> memref<128x128xf32, #tpu.memory_space<vmem>>
    tpu.wait_dma2 semaphore(%arg7 : memref<!tpu.dma_semaphore, #tpu.memory_space<semaphore_mem>>) src(%dma_wait3A_186 : memref<128x128xf32, #tpu.memory_space<vmem>>) dst(%dma_wait3A_182 : memref<128x128xf32, #tpu.memory_space<hbm>>)
    %broadcast_in_dim3A_187 = arith.constant 1 : i32
    %broadcast_in_dim3A_188 = vector.broadcast %broadcast_in_dim3A_187 : i32 to vector<16xi32>
    %scan3A_189 = arith.constant 0 : i32
    %scan3A_190 = arith.constant 0 : i32
    %scan3A_191 = arith.constant 8 : i32
    %scan3A_192 = arith.addi %scan3A_190, %scan3A_191 : i32
    %scan3A_193 = arith.constant 1 : i32
    scf.for %scan3A_385 = %scan3A_190 to %scan3A_192 step %scan3A_193  : i32 {
      %mul3A_386 = arith.constant 16 : i32
      %mul3A_387 = arith.muli %scan3A_385, %mul3A_386 : i32
      %get3A = arith.constant 0 : i32
      %get3A_388 = arith.index_cast %get3A : i32 to index
      %get3A_389 = arith.index_cast %mul3A_387 : i32 to index
      %get3A_390 = tpu.vector_load %arg4[%get3A_388, %get3A_389] {strides = array<i32>} : memref<26x128xi32, #tpu.memory_space<vmem>>, vector<16xi32>,
      %ge3A = arith.constant 128 : i32
      %ge3A_391 = vector.broadcast %ge3A : i32 to vector<16xi32>
      %ge3A_392 = arith.cmpi sge, %get3A_390, %ge3A_391 : vector<16xi32>
      %lt3A = arith.constant 256 : i32
      %lt3A_393 = vector.broadcast %lt3A : i32 to vector<16xi32>
      %lt3A_394 = arith.cmpi slt, %get3A_390, %lt3A_393 : vector<16xi32>
      %and3A = arith.andi %ge3A_392, %lt3A_394 : vector<16xi1>
      %sub3A = arith.constant 128 : i32
      %sub3A_395 = vector.broadcast %sub3A : i32 to vector<16xi32>
      %sub3A_396 = arith.subi %get3A_390, %sub3A_395 : vector<16xi32>
      %mul3A_397 = arith.constant 16 : i32
      %mul3A_398 = arith.muli %scan3A_385, %mul3A_397 : i32
      %add3A_399 = vector.broadcast %mul3A_398 : i32 to vector<16xi32>
      %add3A_400 = arith.addi %add3A_399, %iota3A : vector<16xi32>
      tpu.vector_store_idx %arg5[%broadcast_in_dim3A_188, %sub3A_396, %add3A_400], %broadcast_in_dim3A_3 masked %and3A : memref<4x128x128xf32, #tpu.memory_space<vmem>>[vector<16xi32>, vector<16xi32>, vector<16xi32>], vector<16xf32>, vector<16xi1>
    }
    %scan3A_194 = arith.constant 8 : i32
    %broadcast_in_dim3A_195 = arith.constant 1 : i32
    %broadcast_in_dim3A_196 = vector.broadcast %broadcast_in_dim3A_195 : i32 to vector<16xi32>
    %scan3A_197 = arith.constant 0 : i32
    %scan3A_198 = arith.constant 0 : i32
    %scan3A_199 = arith.constant 8 : i32
    %scan3A_200 = arith.addi %scan3A_198, %scan3A_199 : i32
    %scan3A_201 = arith.constant 1 : i32
    scf.for %scan3A_385 = %scan3A_198 to %scan3A_200 step %scan3A_201  : i32 {
      %mul3A_386 = arith.constant 16 : i32
      %mul3A_387 = arith.muli %scan3A_385, %mul3A_386 : i32
      %get3A = arith.constant 0 : i32
      %get3A_388 = arith.index_cast %get3A : i32 to index
      %get3A_389 = arith.index_cast %mul3A_387 : i32 to index
      %get3A_390 = tpu.vector_load %arg4[%get3A_388, %get3A_389] {strides = array<i32>} : memref<26x128xi32, #tpu.memory_space<vmem>>, vector<16xi32>,
      %ge3A = arith.constant 640 : i32
      %ge3A_391 = vector.broadcast %ge3A : i32 to vector<16xi32>
      %ge3A_392 = arith.cmpi sge, %get3A_390, %ge3A_391 : vector<16xi32>
      %lt3A = arith.constant 768 : i32
      %lt3A_393 = vector.broadcast %lt3A : i32 to vector<16xi32>
      %lt3A_394 = arith.cmpi slt, %get3A_390, %lt3A_393 : vector<16xi32>
      %and3A = arith.andi %ge3A_392, %lt3A_394 : vector<16xi1>
      %sub3A = arith.constant 640 : i32
      %sub3A_395 = vector.broadcast %sub3A : i32 to vector<16xi32>
      %sub3A_396 = arith.subi %get3A_390, %sub3A_395 : vector<16xi32>
      %mul3A_397 = arith.constant 16 : i32
      %mul3A_398 = arith.muli %scan3A_385, %mul3A_397 : i32
      %add3A_399 = vector.broadcast %mul3A_398 : i32 to vector<16xi32>
      %add3A_400 = arith.addi %add3A_399, %iota3A : vector<16xi32>
      tpu.vector_store_idx %arg5[%broadcast_in_dim3A_196, %sub3A_396, %add3A_400], %broadcast_in_dim3A_5 masked %and3A : memref<4x128x128xf32, #tpu.memory_space<vmem>>[vector<16xi32>, vector<16xi32>, vector<16xi32>], vector<16xf32>, vector<16xi1>
    }
    %scan3A_202 = arith.constant 8 : i32
    %dma_start3A_203 = arith.constant 1 : i32
    %dma_start3A_204 = arith.constant 0 : i32
    %dma_start3A_205 = arith.constant 0 : i32
    %dma_start3A_206 = arith.constant 0 : i32
    %dma_start3A_207 = tpu.memref_slice %arg5[%dma_start3A_203, %dma_start3A_205, %dma_start3A_206] : memref<4x128x128xf32, #tpu.memory_space<vmem>> -> memref<1x128x128xf32, #tpu.memory_space<vmem>>
    %dma_start3A_208 = tpu.memref_squeeze %dma_start3A_207 : memref<1x128x128xf32, #tpu.memory_space<vmem>> -> memref<128x128xf32, #tpu.memory_space<vmem>>
    %dma_start3A_209 = arith.constant 640 : i32
    %dma_start3A_210 = tpu.memref_slice %arg3[%dma_start3A_204, %dma_start3A_209, %mul3A_2] : memref<26x1000x4096xf32, #tpu.memory_space<hbm>> -> memref<1x128x128xf32, #tpu.memory_space<hbm>>
    %dma_start3A_211 = tpu.memref_squeeze %dma_start3A_210 : memref<1x128x128xf32, #tpu.memory_space<hbm>> -> memref<128x128xf32, #tpu.memory_space<hbm>>
    %dma_start3A_212 = arith.constant 640 : i32
    %dma_start3A_213 = tpu.memref_slice %arg3[%dma_start3A_204, %dma_start3A_212, %mul3A_2] : memref<26x1000x4096xf32, #tpu.memory_space<hbm>> -> memref<1x128x128xf32, #tpu.memory_space<hbm>>
    %dma_start3A_214 = tpu.memref_squeeze %dma_start3A_213 : memref<1x128x128xf32, #tpu.memory_space<hbm>> -> memref<128x128xf32, #tpu.memory_space<hbm>>
    %dma_start3A_215 = arith.constant 0 : i32
    %dma_start3A_216 = arith.constant 0 : i32
    %dma_start3A_217 = tpu.memref_slice %arg5[%dma_start3A_203, %dma_start3A_215, %dma_start3A_216] : memref<4x128x128xf32, #tpu.memory_space<vmem>> -> memref<1x128x128xf32, #tpu.memory_space<vmem>>
    %dma_start3A_218 = tpu.memref_squeeze %dma_start3A_217 : memref<1x128x128xf32, #tpu.memory_space<vmem>> -> memref<128x128xf32, #tpu.memory_space<vmem>>
    tpu.enqueue_dma source(%dma_start3A_218 : memref<128x128xf32, #tpu.memory_space<vmem>>) target(%dma_start3A_214 : memref<128x128xf32, #tpu.memory_space<hbm>>) target_semaphore(%arg7 : memref<!tpu.dma_semaphore, #tpu.memory_space<semaphore_mem>>)
    %dma_wait3A_219 = arith.constant 2 : i32
    %dma_wait3A_220 = arith.constant 0 : i32
    %dma_wait3A_221 = arith.constant 0 : i32
    %dma_wait3A_222 = arith.constant 0 : i32
    %dma_wait3A_223 = tpu.memref_slice %arg5[%dma_wait3A_219, %dma_wait3A_221, %dma_wait3A_222] : memref<4x128x128xf32, #tpu.memory_space<vmem>> -> memref<1x128x128xf32, #tpu.memory_space<vmem>>
    %dma_wait3A_224 = tpu.memref_squeeze %dma_wait3A_223 : memref<1x128x128xf32, #tpu.memory_space<vmem>> -> memref<128x128xf32, #tpu.memory_space<vmem>>
    %dma_wait3A_225 = arith.constant 256 : i32
    %dma_wait3A_226 = tpu.memref_slice %arg3[%dma_wait3A_220, %dma_wait3A_225, %mul3A_2] : memref<26x1000x4096xf32, #tpu.memory_space<hbm>> -> memref<1x128x128xf32, #tpu.memory_space<hbm>>
    %dma_wait3A_227 = tpu.memref_squeeze %dma_wait3A_226 : memref<1x128x128xf32, #tpu.memory_space<hbm>> -> memref<128x128xf32, #tpu.memory_space<hbm>>
    %dma_wait3A_228 = arith.constant 256 : i32
    %dma_wait3A_229 = tpu.memref_slice %arg3[%dma_wait3A_220, %dma_wait3A_228, %mul3A_2] : memref<26x1000x4096xf32, #tpu.memory_space<hbm>> -> memref<1x128x128xf32, #tpu.memory_space<hbm>>
    %dma_wait3A_230 = tpu.memref_squeeze %dma_wait3A_229 : memref<1x128x128xf32, #tpu.memory_space<hbm>> -> memref<128x128xf32, #tpu.memory_space<hbm>>
    %dma_wait3A_231 = arith.constant 0 : i32
    %dma_wait3A_232 = arith.constant 0 : i32
    %dma_wait3A_233 = tpu.memref_slice %arg5[%dma_wait3A_219, %dma_wait3A_231, %dma_wait3A_232] : memref<4x128x128xf32, #tpu.memory_space<vmem>> -> memref<1x128x128xf32, #tpu.memory_space<vmem>>
    %dma_wait3A_234 = tpu.memref_squeeze %dma_wait3A_233 : memref<1x128x128xf32, #tpu.memory_space<vmem>> -> memref<128x128xf32, #tpu.memory_space<vmem>>
    tpu.wait_dma2 semaphore(%arg8 : memref<!tpu.dma_semaphore, #tpu.memory_space<semaphore_mem>>) src(%dma_wait3A_234 : memref<128x128xf32, #tpu.memory_space<vmem>>) dst(%dma_wait3A_230 : memref<128x128xf32, #tpu.memory_space<hbm>>)
    %broadcast_in_dim3A_235 = arith.constant 2 : i32
    %broadcast_in_dim3A_236 = vector.broadcast %broadcast_in_dim3A_235 : i32 to vector<16xi32>
    %scan3A_237 = arith.constant 0 : i32
    %scan3A_238 = arith.constant 0 : i32
    %scan3A_239 = arith.constant 8 : i32
    %scan3A_240 = arith.addi %scan3A_238, %scan3A_239 : i32
    %scan3A_241 = arith.constant 1 : i32
    scf.for %scan3A_385 = %scan3A_238 to %scan3A_240 step %scan3A_241  : i32 {
      %mul3A_386 = arith.constant 16 : i32
      %mul3A_387 = arith.muli %scan3A_385, %mul3A_386 : i32
      %get3A = arith.constant 0 : i32
      %get3A_388 = arith.index_cast %get3A : i32 to index
      %get3A_389 = arith.index_cast %mul3A_387 : i32 to index
      %get3A_390 = tpu.vector_load %arg4[%get3A_388, %get3A_389] {strides = array<i32>} : memref<26x128xi32, #tpu.memory_space<vmem>>, vector<16xi32>,
      %ge3A = arith.constant 256 : i32
      %ge3A_391 = vector.broadcast %ge3A : i32 to vector<16xi32>
      %ge3A_392 = arith.cmpi sge, %get3A_390, %ge3A_391 : vector<16xi32>
      %lt3A = arith.constant 384 : i32
      %lt3A_393 = vector.broadcast %lt3A : i32 to vector<16xi32>
      %lt3A_394 = arith.cmpi slt, %get3A_390, %lt3A_393 : vector<16xi32>
      %and3A = arith.andi %ge3A_392, %lt3A_394 : vector<16xi1>
      %sub3A = arith.constant 256 : i32
      %sub3A_395 = vector.broadcast %sub3A : i32 to vector<16xi32>
      %sub3A_396 = arith.subi %get3A_390, %sub3A_395 : vector<16xi32>
      %mul3A_397 = arith.constant 16 : i32
      %mul3A_398 = arith.muli %scan3A_385, %mul3A_397 : i32
      %add3A_399 = vector.broadcast %mul3A_398 : i32 to vector<16xi32>
      %add3A_400 = arith.addi %add3A_399, %iota3A : vector<16xi32>
      tpu.vector_store_idx %arg5[%broadcast_in_dim3A_236, %sub3A_396, %add3A_400], %broadcast_in_dim3A_3 masked %and3A : memref<4x128x128xf32, #tpu.memory_space<vmem>>[vector<16xi32>, vector<16xi32>, vector<16xi32>], vector<16xf32>, vector<16xi1>
    }
    %scan3A_242 = arith.constant 8 : i32
    %broadcast_in_dim3A_243 = arith.constant 2 : i32
    %broadcast_in_dim3A_244 = vector.broadcast %broadcast_in_dim3A_243 : i32 to vector<16xi32>
    %scan3A_245 = arith.constant 0 : i32
    %scan3A_246 = arith.constant 0 : i32
    %scan3A_247 = arith.constant 8 : i32
    %scan3A_248 = arith.addi %scan3A_246, %scan3A_247 : i32
    %scan3A_249 = arith.constant 1 : i32
    scf.for %scan3A_385 = %scan3A_246 to %scan3A_248 step %scan3A_249  : i32 {
      %mul3A_386 = arith.constant 16 : i32
      %mul3A_387 = arith.muli %scan3A_385, %mul3A_386 : i32
      %get3A = arith.constant 0 : i32
      %get3A_388 = arith.index_cast %get3A : i32 to index
      %get3A_389 = arith.index_cast %mul3A_387 : i32 to index
      %get3A_390 = tpu.vector_load %arg4[%get3A_388, %get3A_389] {strides = array<i32>} : memref<26x128xi32, #tpu.memory_space<vmem>>, vector<16xi32>,
      %ge3A = arith.constant 768 : i32
      %ge3A_391 = vector.broadcast %ge3A : i32 to vector<16xi32>
      %ge3A_392 = arith.cmpi sge, %get3A_390, %ge3A_391 : vector<16xi32>
      %lt3A = arith.constant 872 : i32
      %lt3A_393 = vector.broadcast %lt3A : i32 to vector<16xi32>
      %lt3A_394 = arith.cmpi slt, %get3A_390, %lt3A_393 : vector<16xi32>
      %and3A = arith.andi %ge3A_392, %lt3A_394 : vector<16xi1>
      %sub3A = arith.constant 768 : i32
      %sub3A_395 = vector.broadcast %sub3A : i32 to vector<16xi32>
      %sub3A_396 = arith.subi %get3A_390, %sub3A_395 : vector<16xi32>
      %mul3A_397 = arith.constant 16 : i32
      %mul3A_398 = arith.muli %scan3A_385, %mul3A_397 : i32
      %add3A_399 = vector.broadcast %mul3A_398 : i32 to vector<16xi32>
      %add3A_400 = arith.addi %add3A_399, %iota3A : vector<16xi32>
      tpu.vector_store_idx %arg5[%broadcast_in_dim3A_244, %sub3A_396, %add3A_400], %broadcast_in_dim3A_5 masked %and3A : memref<4x128x128xf32, #tpu.memory_space<vmem>>[vector<16xi32>, vector<16xi32>, vector<16xi32>], vector<16xf32>, vector<16xi1>
    }
    %scan3A_250 = arith.constant 8 : i32
    %dma_start3A_251 = arith.constant 2 : i32
    %dma_start3A_252 = arith.constant 0 : i32
    %dma_start3A_253 = arith.constant 0 : i32
    %dma_start3A_254 = arith.constant 0 : i32
    %dma_start3A_255 = tpu.memref_slice %arg5[%dma_start3A_251, %dma_start3A_253, %dma_start3A_254] : memref<4x128x128xf32, #tpu.memory_space<vmem>> -> memref<1x104x128xf32, #tpu.memory_space<vmem>>
    %dma_start3A_256 = tpu.memref_squeeze %dma_start3A_255 : memref<1x104x128xf32, #tpu.memory_space<vmem>> -> memref<104x128xf32, #tpu.memory_space<vmem>>
    %dma_start3A_257 = arith.constant 768 : i32
    %dma_start3A_258 = tpu.memref_slice %arg3[%dma_start3A_252, %dma_start3A_257, %mul3A_2] : memref<26x1000x4096xf32, #tpu.memory_space<hbm>> -> memref<1x104x128xf32, #tpu.memory_space<hbm>>
    %dma_start3A_259 = tpu.memref_squeeze %dma_start3A_258 : memref<1x104x128xf32, #tpu.memory_space<hbm>> -> memref<104x128xf32, #tpu.memory_space<hbm>>
    %dma_start3A_260 = arith.constant 768 : i32
    %dma_start3A_261 = tpu.memref_slice %arg3[%dma_start3A_252, %dma_start3A_260, %mul3A_2] : memref<26x1000x4096xf32, #tpu.memory_space<hbm>> -> memref<1x104x128xf32, #tpu.memory_space<hbm>>
    %dma_start3A_262 = tpu.memref_squeeze %dma_start3A_261 : memref<1x104x128xf32, #tpu.memory_space<hbm>> -> memref<104x128xf32, #tpu.memory_space<hbm>>
    %dma_start3A_263 = arith.constant 0 : i32
    %dma_start3A_264 = arith.constant 0 : i32
    %dma_start3A_265 = tpu.memref_slice %arg5[%dma_start3A_251, %dma_start3A_263, %dma_start3A_264] : memref<4x128x128xf32, #tpu.memory_space<vmem>> -> memref<1x104x128xf32, #tpu.memory_space<vmem>>
    %dma_start3A_266 = tpu.memref_squeeze %dma_start3A_265 : memref<1x104x128xf32, #tpu.memory_space<vmem>> -> memref<104x128xf32, #tpu.memory_space<vmem>>
    tpu.enqueue_dma source(%dma_start3A_266 : memref<104x128xf32, #tpu.memory_space<vmem>>) target(%dma_start3A_262 : memref<104x128xf32, #tpu.memory_space<hbm>>) target_semaphore(%arg8 : memref<!tpu.dma_semaphore, #tpu.memory_space<semaphore_mem>>)
    %dma_wait3A_267 = arith.constant 3 : i32
    %dma_wait3A_268 = arith.constant 0 : i32
    %dma_wait3A_269 = arith.constant 0 : i32
    %dma_wait3A_270 = arith.constant 0 : i32
    %dma_wait3A_271 = tpu.memref_slice %arg5[%dma_wait3A_267, %dma_wait3A_269, %dma_wait3A_270] : memref<4x128x128xf32, #tpu.memory_space<vmem>> -> memref<1x128x128xf32, #tpu.memory_space<vmem>>
    %dma_wait3A_272 = tpu.memref_squeeze %dma_wait3A_271 : memref<1x128x128xf32, #tpu.memory_space<vmem>> -> memref<128x128xf32, #tpu.memory_space<vmem>>
    %dma_wait3A_273 = arith.constant 384 : i32
    %dma_wait3A_274 = tpu.memref_slice %arg3[%dma_wait3A_268, %dma_wait3A_273, %mul3A_2] : memref<26x1000x4096xf32, #tpu.memory_space<hbm>> -> memref<1x128x128xf32, #tpu.memory_space<hbm>>
    %dma_wait3A_275 = tpu.memref_squeeze %dma_wait3A_274 : memref<1x128x128xf32, #tpu.memory_space<hbm>> -> memref<128x128xf32, #tpu.memory_space<hbm>>
    %dma_wait3A_276 = arith.constant 384 : i32
    %dma_wait3A_277 = tpu.memref_slice %arg3[%dma_wait3A_268, %dma_wait3A_276, %mul3A_2] : memref<26x1000x4096xf32, #tpu.memory_space<hbm>> -> memref<1x128x128xf32, #tpu.memory_space<hbm>>
    %dma_wait3A_278 = tpu.memref_squeeze %dma_wait3A_277 : memref<1x128x128xf32, #tpu.memory_space<hbm>> -> memref<128x128xf32, #tpu.memory_space<hbm>>
    %dma_wait3A_279 = arith.constant 0 : i32
    %dma_wait3A_280 = arith.constant 0 : i32
    %dma_wait3A_281 = tpu.memref_slice %arg5[%dma_wait3A_267, %dma_wait3A_279, %dma_wait3A_280] : memref<4x128x128xf32, #tpu.memory_space<vmem>> -> memref<1x128x128xf32, #tpu.memory_space<vmem>>
    %dma_wait3A_282 = tpu.memref_squeeze %dma_wait3A_281 : memref<1x128x128xf32, #tpu.memory_space<vmem>> -> memref<128x128xf32, #tpu.memory_space<vmem>>
    tpu.wait_dma2 semaphore(%arg9 : memref<!tpu.dma_semaphore, #tpu.memory_space<semaphore_mem>>) src(%dma_wait3A_282 : memref<128x128xf32, #tpu.memory_space<vmem>>) dst(%dma_wait3A_278 : memref<128x128xf32, #tpu.memory_space<hbm>>)
    %broadcast_in_dim3A_283 = arith.constant 3 : i32
    %broadcast_in_dim3A_284 = vector.broadcast %broadcast_in_dim3A_283 : i32 to vector<16xi32>
    %scan3A_285 = arith.constant 0 : i32
    %scan3A_286 = arith.constant 0 : i32
    %scan3A_287 = arith.constant 8 : i32
    %scan3A_288 = arith.addi %scan3A_286, %scan3A_287 : i32
    %scan3A_289 = arith.constant 1 : i32
    scf.for %scan3A_385 = %scan3A_286 to %scan3A_288 step %scan3A_289  : i32 {
      %mul3A_386 = arith.constant 16 : i32
      %mul3A_387 = arith.muli %scan3A_385, %mul3A_386 : i32
      %get3A = arith.constant 0 : i32
      %get3A_388 = arith.index_cast %get3A : i32 to index
      %get3A_389 = arith.index_cast %mul3A_387 : i32 to index
      %get3A_390 = tpu.vector_load %arg4[%get3A_388, %get3A_389] {strides = array<i32>} : memref<26x128xi32, #tpu.memory_space<vmem>>, vector<16xi32>,
      %ge3A = arith.constant 384 : i32
      %ge3A_391 = vector.broadcast %ge3A : i32 to vector<16xi32>
      %ge3A_392 = arith.cmpi sge, %get3A_390, %ge3A_391 : vector<16xi32>
      %lt3A = arith.constant 512 : i32
      %lt3A_393 = vector.broadcast %lt3A : i32 to vector<16xi32>
      %lt3A_394 = arith.cmpi slt, %get3A_390, %lt3A_393 : vector<16xi32>
      %and3A = arith.andi %ge3A_392, %lt3A_394 : vector<16xi1>
      %sub3A = arith.constant 384 : i32
      %sub3A_395 = vector.broadcast %sub3A : i32 to vector<16xi32>
      %sub3A_396 = arith.subi %get3A_390, %sub3A_395 : vector<16xi32>
      %mul3A_397 = arith.constant 16 : i32
      %mul3A_398 = arith.muli %scan3A_385, %mul3A_397 : i32
      %add3A_399 = vector.broadcast %mul3A_398 : i32 to vector<16xi32>
      %add3A_400 = arith.addi %add3A_399, %iota3A : vector<16xi32>
      tpu.vector_store_idx %arg5[%broadcast_in_dim3A_284, %sub3A_396, %add3A_400], %broadcast_in_dim3A_3 masked %and3A : memref<4x128x128xf32, #tpu.memory_space<vmem>>[vector<16xi32>, vector<16xi32>, vector<16xi32>], vector<16xf32>, vector<16xi1>
    }
    %scan3A_290 = arith.constant 8 : i32
    %broadcast_in_dim3A_291 = arith.constant 3 : i32
    %broadcast_in_dim3A_292 = vector.broadcast %broadcast_in_dim3A_291 : i32 to vector<16xi32>
    %scan3A_293 = arith.constant 0 : i32
    %scan3A_294 = arith.constant 0 : i32
    %scan3A_295 = arith.constant 8 : i32
    %scan3A_296 = arith.addi %scan3A_294, %scan3A_295 : i32
    %scan3A_297 = arith.constant 1 : i32
    scf.for %scan3A_385 = %scan3A_294 to %scan3A_296 step %scan3A_297  : i32 {
      %mul3A_386 = arith.constant 16 : i32
      %mul3A_387 = arith.muli %scan3A_385, %mul3A_386 : i32
      %get3A = arith.constant 0 : i32
      %get3A_388 = arith.index_cast %get3A : i32 to index
      %get3A_389 = arith.index_cast %mul3A_387 : i32 to index
      %get3A_390 = tpu.vector_load %arg4[%get3A_388, %get3A_389] {strides = array<i32>} : memref<26x128xi32, #tpu.memory_space<vmem>>, vector<16xi32>,
      %ge3A = arith.constant 872 : i32
      %ge3A_391 = vector.broadcast %ge3A : i32 to vector<16xi32>
      %ge3A_392 = arith.cmpi sge, %get3A_390, %ge3A_391 : vector<16xi32>
      %lt3A = arith.constant 1000 : i32
      %lt3A_393 = vector.broadcast %lt3A : i32 to vector<16xi32>
      %lt3A_394 = arith.cmpi slt, %get3A_390, %lt3A_393 : vector<16xi32>
      %and3A = arith.andi %ge3A_392, %lt3A_394 : vector<16xi1>
      %sub3A = arith.constant 872 : i32
      %sub3A_395 = vector.broadcast %sub3A : i32 to vector<16xi32>
      %sub3A_396 = arith.subi %get3A_390, %sub3A_395 : vector<16xi32>
      %mul3A_397 = arith.constant 16 : i32
      %mul3A_398 = arith.muli %scan3A_385, %mul3A_397 : i32
      %add3A_399 = vector.broadcast %mul3A_398 : i32 to vector<16xi32>
      %add3A_400 = arith.addi %add3A_399, %iota3A : vector<16xi32>
      tpu.vector_store_idx %arg5[%broadcast_in_dim3A_292, %sub3A_396, %add3A_400], %broadcast_in_dim3A_5 masked %and3A : memref<4x128x128xf32, #tpu.memory_space<vmem>>[vector<16xi32>, vector<16xi32>, vector<16xi32>], vector<16xf32>, vector<16xi1>
    }
    %scan3A_298 = arith.constant 8 : i32
    %dma_start3A_299 = arith.constant 3 : i32
    %dma_start3A_300 = arith.constant 0 : i32
    %dma_start3A_301 = arith.constant 0 : i32
    %dma_start3A_302 = arith.constant 0 : i32
    %dma_start3A_303 = tpu.memref_slice %arg5[%dma_start3A_299, %dma_start3A_301, %dma_start3A_302] : memref<4x128x128xf32, #tpu.memory_space<vmem>> -> memref<1x128x128xf32, #tpu.memory_space<vmem>>
    %dma_start3A_304 = tpu.memref_squeeze %dma_start3A_303 : memref<1x128x128xf32, #tpu.memory_space<vmem>> -> memref<128x128xf32, #tpu.memory_space<vmem>>
    %dma_start3A_305 = arith.constant 872 : i32
    %dma_start3A_306 = tpu.memref_slice %arg3[%dma_start3A_300, %dma_start3A_305, %mul3A_2] : memref<26x1000x4096xf32, #tpu.memory_space<hbm>> -> memref<1x128x128xf32, #tpu.memory_space<hbm>>
    %dma_start3A_307 = tpu.memref_squeeze %dma_start3A_306 : memref<1x128x128xf32, #tpu.memory_space<hbm>> -> memref<128x128xf32, #tpu.memory_space<hbm>>
    %dma_start3A_308 = arith.constant 872 : i32
    %dma_start3A_309 = tpu.memref_slice %arg3[%dma_start3A_300, %dma_start3A_308, %mul3A_2] : memref<26x1000x4096xf32, #tpu.memory_space<hbm>> -> memref<1x128x128xf32, #tpu.memory_space<hbm>>
    %dma_start3A_310 = tpu.memref_squeeze %dma_start3A_309 : memref<1x128x128xf32, #tpu.memory_space<hbm>> -> memref<128x128xf32, #tpu.memory_space<hbm>>
    %dma_start3A_311 = arith.constant 0 : i32
    %dma_start3A_312 = arith.constant 0 : i32
    %dma_start3A_313 = tpu.memref_slice %arg5[%dma_start3A_299, %dma_start3A_311, %dma_start3A_312] : memref<4x128x128xf32, #tpu.memory_space<vmem>> -> memref<1x128x128xf32, #tpu.memory_space<vmem>>
    %dma_start3A_314 = tpu.memref_squeeze %dma_start3A_313 : memref<1x128x128xf32, #tpu.memory_space<vmem>> -> memref<128x128xf32, #tpu.memory_space<vmem>>
    tpu.enqueue_dma source(%dma_start3A_314 : memref<128x128xf32, #tpu.memory_space<vmem>>) target(%dma_start3A_310 : memref<128x128xf32, #tpu.memory_space<hbm>>) target_semaphore(%arg9 : memref<!tpu.dma_semaphore, #tpu.memory_space<semaphore_mem>>)
    %scan3A_315 = arith.constant 0 : i32
    %scan3A_316 = arith.constant 1 : i32
    %scan3A_317 = arith.constant 25 : i32
    %scan3A_318 = arith.addi %scan3A_316, %scan3A_317 : i32
    %scan3A_319 = arith.constant 1 : i32
    scf.for %scan3A_385 = %scan3A_316 to %scan3A_318 step %scan3A_319  : i32 {
      %sub3A = arith.constant 1 : i32
      %sub3A_386 = arith.subi %scan3A_385, %sub3A : i32
      %dma_wait3A_387 = arith.constant 0 : i32
      %dma_wait3A_388 = arith.constant 0 : i32
      %dma_wait3A_389 = arith.constant 0 : i32
      %dma_wait3A_390 = tpu.memref_slice %arg5[%dma_wait3A_387, %dma_wait3A_388, %dma_wait3A_389] : memref<4x128x128xf32, #tpu.memory_space<vmem>> -> memref<1x128x128xf32, #tpu.memory_space<vmem>>
      %dma_wait3A_391 = tpu.memref_squeeze %dma_wait3A_390 : memref<1x128x128xf32, #tpu.memory_space<vmem>> -> memref<128x128xf32, #tpu.memory_space<vmem>>
      %dma_wait3A_392 = arith.constant 512 : i32
      %dma_wait3A_393 = tpu.memref_slice %arg3[%sub3A_386, %dma_wait3A_392, %mul3A_2] : memref<26x1000x4096xf32, #tpu.memory_space<hbm>> -> memref<1x128x128xf32, #tpu.memory_space<hbm>>
      %dma_wait3A_394 = tpu.memref_squeeze %dma_wait3A_393 : memref<1x128x128xf32, #tpu.memory_space<hbm>> -> memref<128x128xf32, #tpu.memory_space<hbm>>
      %dma_wait3A_395 = arith.constant 512 : i32
      %dma_wait3A_396 = tpu.memref_slice %arg3[%sub3A_386, %dma_wait3A_395, %mul3A_2] : memref<26x1000x4096xf32, #tpu.memory_space<hbm>> -> memref<1x128x128xf32, #tpu.memory_space<hbm>>
      %dma_wait3A_397 = tpu.memref_squeeze %dma_wait3A_396 : memref<1x128x128xf32, #tpu.memory_space<hbm>> -> memref<128x128xf32, #tpu.memory_space<hbm>>
      %dma_wait3A_398 = arith.constant 0 : i32
      %dma_wait3A_399 = arith.constant 0 : i32
      %dma_wait3A_400 = tpu.memref_slice %arg5[%dma_wait3A_387, %dma_wait3A_398, %dma_wait3A_399] : memref<4x128x128xf32, #tpu.memory_space<vmem>> -> memref<1x128x128xf32, #tpu.memory_space<vmem>>
      %dma_wait3A_401 = tpu.memref_squeeze %dma_wait3A_400 : memref<1x128x128xf32, #tpu.memory_space<vmem>> -> memref<128x128xf32, #tpu.memory_space<vmem>>
      tpu.wait_dma2 semaphore(%arg6 : memref<!tpu.dma_semaphore, #tpu.memory_space<semaphore_mem>>) src(%dma_wait3A_401 : memref<128x128xf32, #tpu.memory_space<vmem>>) dst(%dma_wait3A_397 : memref<128x128xf32, #tpu.memory_space<hbm>>)
      %broadcast_in_dim3A_402 = arith.constant 0 : i32
      %broadcast_in_dim3A_403 = vector.broadcast %broadcast_in_dim3A_402 : i32 to vector<16xi32>
      %scan3A_404 = arith.constant 0 : i32
      %scan3A_405 = arith.constant 0 : i32
      %scan3A_406 = arith.constant 8 : i32
      %scan3A_407 = arith.addi %scan3A_405, %scan3A_406 : i32
      %scan3A_408 = arith.constant 1 : i32
      scf.for %scan3A_761 = %scan3A_405 to %scan3A_407 step %scan3A_408  : i32 {
        %mul3A_762 = arith.constant 16 : i32
        %mul3A_763 = arith.muli %scan3A_761, %mul3A_762 : i32
        %get3A = arith.index_cast %sub3A_386 : i32 to index
        %get3A_764 = arith.index_cast %mul3A_763 : i32 to index
        %get3A_765 = tpu.vector_load %arg4[%get3A, %get3A_764] {strides = array<i32>} : memref<26x128xi32, #tpu.memory_space<vmem>>, vector<16xi32>,
        %ge3A = arith.constant 512 : i32
        %ge3A_766 = vector.broadcast %ge3A : i32 to vector<16xi32>
        %ge3A_767 = arith.cmpi sge, %get3A_765, %ge3A_766 : vector<16xi32>
        %lt3A = arith.constant 640 : i32
        %lt3A_768 = vector.broadcast %lt3A : i32 to vector<16xi32>
        %lt3A_769 = arith.cmpi slt, %get3A_765, %lt3A_768 : vector<16xi32>
        %and3A = arith.andi %ge3A_767, %lt3A_769 : vector<16xi1>
        %sub3A_770 = arith.constant 512 : i32
        %sub3A_771 = vector.broadcast %sub3A_770 : i32 to vector<16xi32>
        %sub3A_772 = arith.subi %get3A_765, %sub3A_771 : vector<16xi32>
        %mul3A_773 = arith.constant 16 : i32
        %mul3A_774 = arith.muli %scan3A_761, %mul3A_773 : i32
        %add3A_775 = vector.broadcast %mul3A_774 : i32 to vector<16xi32>
        %add3A_776 = arith.addi %add3A_775, %iota3A : vector<16xi32>
        tpu.vector_store_idx %arg5[%broadcast_in_dim3A_403, %sub3A_772, %add3A_776], %broadcast_in_dim3A_3 masked %and3A : memref<4x128x128xf32, #tpu.memory_space<vmem>>[vector<16xi32>, vector<16xi32>, vector<16xi32>], vector<16xf32>, vector<16xi1>
      }
      %scan3A_409 = arith.constant 8 : i32
      %broadcast_in_dim3A_410 = arith.constant 0 : i32
      %broadcast_in_dim3A_411 = vector.broadcast %broadcast_in_dim3A_410 : i32 to vector<16xi32>
      %scan3A_412 = arith.constant 0 : i32
      %scan3A_413 = arith.constant 0 : i32
      %scan3A_414 = arith.constant 8 : i32
      %scan3A_415 = arith.addi %scan3A_413, %scan3A_414 : i32
      %scan3A_416 = arith.constant 1 : i32
      scf.for %scan3A_761 = %scan3A_413 to %scan3A_415 step %scan3A_416  : i32 {
        %mul3A_762 = arith.constant 16 : i32
        %mul3A_763 = arith.muli %scan3A_761, %mul3A_762 : i32
        %get3A = arith.index_cast %scan3A_385 : i32 to index
        %get3A_764 = arith.index_cast %mul3A_763 : i32 to index
        %get3A_765 = tpu.vector_load %arg4[%get3A, %get3A_764] {strides = array<i32>} : memref<26x128xi32, #tpu.memory_space<vmem>>, vector<16xi32>,
        %ge3A = arith.constant 0 : i32
        %ge3A_766 = vector.broadcast %ge3A : i32 to vector<16xi32>
        %ge3A_767 = arith.cmpi sge, %get3A_765, %ge3A_766 : vector<16xi32>
        %lt3A = arith.constant 128 : i32
        %lt3A_768 = vector.broadcast %lt3A : i32 to vector<16xi32>
        %lt3A_769 = arith.cmpi slt, %get3A_765, %lt3A_768 : vector<16xi32>
        %and3A = arith.andi %ge3A_767, %lt3A_769 : vector<16xi1>
        %sub3A_770 = arith.constant 0 : i32
        %sub3A_771 = vector.broadcast %sub3A_770 : i32 to vector<16xi32>
        %sub3A_772 = arith.subi %get3A_765, %sub3A_771 : vector<16xi32>
        %mul3A_773 = arith.constant 16 : i32
        %mul3A_774 = arith.muli %scan3A_761, %mul3A_773 : i32
        %add3A_775 = vector.broadcast %mul3A_774 : i32 to vector<16xi32>
        %add3A_776 = arith.addi %add3A_775, %iota3A : vector<16xi32>
        tpu.vector_store_idx %arg5[%broadcast_in_dim3A_411, %sub3A_772, %add3A_776], %broadcast_in_dim3A_5 masked %and3A : memref<4x128x128xf32, #tpu.memory_space<vmem>>[vector<16xi32>, vector<16xi32>, vector<16xi32>], vector<16xf32>, vector<16xi1>
      }
      %scan3A_417 = arith.constant 8 : i32
      %dma_start3A_418 = arith.constant 0 : i32
      %dma_start3A_419 = arith.constant 0 : i32
      %dma_start3A_420 = arith.constant 0 : i32
      %dma_start3A_421 = tpu.memref_slice %arg5[%dma_start3A_418, %dma_start3A_419, %dma_start3A_420] : memref<4x128x128xf32, #tpu.memory_space<vmem>> -> memref<1x128x128xf32, #tpu.memory_space<vmem>>
      %dma_start3A_422 = tpu.memref_squeeze %dma_start3A_421 : memref<1x128x128xf32, #tpu.memory_space<vmem>> -> memref<128x128xf32, #tpu.memory_space<vmem>>
      %dma_start3A_423 = arith.constant 0 : i32
      %dma_start3A_424 = tpu.memref_slice %arg3[%scan3A_385, %dma_start3A_423, %mul3A_2] : memref<26x1000x4096xf32, #tpu.memory_space<hbm>> -> memref<1x128x128xf32, #tpu.memory_space<hbm>>
      %dma_start3A_425 = tpu.memref_squeeze %dma_start3A_424 : memref<1x128x128xf32, #tpu.memory_space<hbm>> -> memref<128x128xf32, #tpu.memory_space<hbm>>
      %dma_start3A_426 = arith.constant 0 : i32
      %dma_start3A_427 = tpu.memref_slice %arg3[%scan3A_385, %dma_start3A_426, %mul3A_2] : memref<26x1000x4096xf32, #tpu.memory_space<hbm>> -> memref<1x128x128xf32, #tpu.memory_space<hbm>>
      %dma_start3A_428 = tpu.memref_squeeze %dma_start3A_427 : memref<1x128x128xf32, #tpu.memory_space<hbm>> -> memref<128x128xf32, #tpu.memory_space<hbm>>
      %dma_start3A_429 = arith.constant 0 : i32
      %dma_start3A_430 = arith.constant 0 : i32
      %dma_start3A_431 = tpu.memref_slice %arg5[%dma_start3A_418, %dma_start3A_429, %dma_start3A_430] : memref<4x128x128xf32, #tpu.memory_space<vmem>> -> memref<1x128x128xf32, #tpu.memory_space<vmem>>
      %dma_start3A_432 = tpu.memref_squeeze %dma_start3A_431 : memref<1x128x128xf32, #tpu.memory_space<vmem>> -> memref<128x128xf32, #tpu.memory_space<vmem>>
      tpu.enqueue_dma source(%dma_start3A_432 : memref<128x128xf32, #tpu.memory_space<vmem>>) target(%dma_start3A_428 : memref<128x128xf32, #tpu.memory_space<hbm>>) target_semaphore(%arg6 : memref<!tpu.dma_semaphore, #tpu.memory_space<semaphore_mem>>)
      %sub3A_433 = arith.constant 1 : i32
      %sub3A_434 = arith.subi %scan3A_385, %sub3A_433 : i32
      %dma_wait3A_435 = arith.constant 1 : i32
      %dma_wait3A_436 = arith.constant 0 : i32
      %dma_wait3A_437 = arith.constant 0 : i32
      %dma_wait3A_438 = tpu.memref_slice %arg5[%dma_wait3A_435, %dma_wait3A_436, %dma_wait3A_437] : memref<4x128x128xf32, #tpu.memory_space<vmem>> -> memref<1x128x128xf32, #tpu.memory_space<vmem>>
      %dma_wait3A_439 = tpu.memref_squeeze %dma_wait3A_438 : memref<1x128x128xf32, #tpu.memory_space<vmem>> -> memref<128x128xf32, #tpu.memory_space<vmem>>
      %dma_wait3A_440 = arith.constant 640 : i32
      %dma_wait3A_441 = tpu.memref_slice %arg3[%sub3A_434, %dma_wait3A_440, %mul3A_2] : memref<26x1000x4096xf32, #tpu.memory_space<hbm>> -> memref<1x128x128xf32, #tpu.memory_space<hbm>>
      %dma_wait3A_442 = tpu.memref_squeeze %dma_wait3A_441 : memref<1x128x128xf32, #tpu.memory_space<hbm>> -> memref<128x128xf32, #tpu.memory_space<hbm>>
      %dma_wait3A_443 = arith.constant 640 : i32
      %dma_wait3A_444 = tpu.memref_slice %arg3[%sub3A_434, %dma_wait3A_443, %mul3A_2] : memref<26x1000x4096xf32, #tpu.memory_space<hbm>> -> memref<1x128x128xf32, #tpu.memory_space<hbm>>
      %dma_wait3A_445 = tpu.memref_squeeze %dma_wait3A_444 : memref<1x128x128xf32, #tpu.memory_space<hbm>> -> memref<128x128xf32, #tpu.memory_space<hbm>>
      %dma_wait3A_446 = arith.constant 0 : i32
      %dma_wait3A_447 = arith.constant 0 : i32
      %dma_wait3A_448 = tpu.memref_slice %arg5[%dma_wait3A_435, %dma_wait3A_446, %dma_wait3A_447] : memref<4x128x128xf32, #tpu.memory_space<vmem>> -> memref<1x128x128xf32, #tpu.memory_space<vmem>>
      %dma_wait3A_449 = tpu.memref_squeeze %dma_wait3A_448 : memref<1x128x128xf32, #tpu.memory_space<vmem>> -> memref<128x128xf32, #tpu.memory_space<vmem>>
      tpu.wait_dma2 semaphore(%arg7 : memref<!tpu.dma_semaphore, #tpu.memory_space<semaphore_mem>>) src(%dma_wait3A_449 : memref<128x128xf32, #tpu.memory_space<vmem>>) dst(%dma_wait3A_445 : memref<128x128xf32, #tpu.memory_space<hbm>>)
      %broadcast_in_dim3A_450 = arith.constant 1 : i32
      %broadcast_in_dim3A_451 = vector.broadcast %broadcast_in_dim3A_450 : i32 to vector<16xi32>
      %scan3A_452 = arith.constant 0 : i32
      %scan3A_453 = arith.constant 0 : i32
      %scan3A_454 = arith.constant 8 : i32
      %scan3A_455 = arith.addi %scan3A_453, %scan3A_454 : i32
      %scan3A_456 = arith.constant 1 : i32
      scf.for %scan3A_761 = %scan3A_453 to %scan3A_455 step %scan3A_456  : i32 {
        %mul3A_762 = arith.constant 16 : i32
        %mul3A_763 = arith.muli %scan3A_761, %mul3A_762 : i32
        %get3A = arith.index_cast %sub3A_434 : i32 to index
        %get3A_764 = arith.index_cast %mul3A_763 : i32 to index
        %get3A_765 = tpu.vector_load %arg4[%get3A, %get3A_764] {strides = array<i32>} : memref<26x128xi32, #tpu.memory_space<vmem>>, vector<16xi32>,
        %ge3A = arith.constant 640 : i32
        %ge3A_766 = vector.broadcast %ge3A : i32 to vector<16xi32>
        %ge3A_767 = arith.cmpi sge, %get3A_765, %ge3A_766 : vector<16xi32>
        %lt3A = arith.constant 768 : i32
        %lt3A_768 = vector.broadcast %lt3A : i32 to vector<16xi32>
        %lt3A_769 = arith.cmpi slt, %get3A_765, %lt3A_768 : vector<16xi32>
        %and3A = arith.andi %ge3A_767, %lt3A_769 : vector<16xi1>
        %sub3A_770 = arith.constant 640 : i32
        %sub3A_771 = vector.broadcast %sub3A_770 : i32 to vector<16xi32>
        %sub3A_772 = arith.subi %get3A_765, %sub3A_771 : vector<16xi32>
        %mul3A_773 = arith.constant 16 : i32
        %mul3A_774 = arith.muli %scan3A_761, %mul3A_773 : i32
        %add3A_775 = vector.broadcast %mul3A_774 : i32 to vector<16xi32>
        %add3A_776 = arith.addi %add3A_775, %iota3A : vector<16xi32>
        tpu.vector_store_idx %arg5[%broadcast_in_dim3A_451, %sub3A_772, %add3A_776], %broadcast_in_dim3A_3 masked %and3A : memref<4x128x128xf32, #tpu.memory_space<vmem>>[vector<16xi32>, vector<16xi32>, vector<16xi32>], vector<16xf32>, vector<16xi1>
      }
      %scan3A_457 = arith.constant 8 : i32
      %broadcast_in_dim3A_458 = arith.constant 1 : i32
      %broadcast_in_dim3A_459 = vector.broadcast %broadcast_in_dim3A_458 : i32 to vector<16xi32>
      %scan3A_460 = arith.constant 0 : i32
      %scan3A_461 = arith.constant 0 : i32
      %scan3A_462 = arith.constant 8 : i32
      %scan3A_463 = arith.addi %scan3A_461, %scan3A_462 : i32
      %scan3A_464 = arith.constant 1 : i32
      scf.for %scan3A_761 = %scan3A_461 to %scan3A_463 step %scan3A_464  : i32 {
        %mul3A_762 = arith.constant 16 : i32
        %mul3A_763 = arith.muli %scan3A_761, %mul3A_762 : i32
        %get3A = arith.index_cast %scan3A_385 : i32 to index
        %get3A_764 = arith.index_cast %mul3A_763 : i32 to index
        %get3A_765 = tpu.vector_load %arg4[%get3A, %get3A_764] {strides = array<i32>} : memref<26x128xi32, #tpu.memory_space<vmem>>, vector<16xi32>,
        %ge3A = arith.constant 128 : i32
        %ge3A_766 = vector.broadcast %ge3A : i32 to vector<16xi32>
        %ge3A_767 = arith.cmpi sge, %get3A_765, %ge3A_766 : vector<16xi32>
        %lt3A = arith.constant 256 : i32
        %lt3A_768 = vector.broadcast %lt3A : i32 to vector<16xi32>
        %lt3A_769 = arith.cmpi slt, %get3A_765, %lt3A_768 : vector<16xi32>
        %and3A = arith.andi %ge3A_767, %lt3A_769 : vector<16xi1>
        %sub3A_770 = arith.constant 128 : i32
        %sub3A_771 = vector.broadcast %sub3A_770 : i32 to vector<16xi32>
        %sub3A_772 = arith.subi %get3A_765, %sub3A_771 : vector<16xi32>
        %mul3A_773 = arith.constant 16 : i32
        %mul3A_774 = arith.muli %scan3A_761, %mul3A_773 : i32
        %add3A_775 = vector.broadcast %mul3A_774 : i32 to vector<16xi32>
        %add3A_776 = arith.addi %add3A_775, %iota3A : vector<16xi32>
        tpu.vector_store_idx %arg5[%broadcast_in_dim3A_459, %sub3A_772, %add3A_776], %broadcast_in_dim3A_5 masked %and3A : memref<4x128x128xf32, #tpu.memory_space<vmem>>[vector<16xi32>, vector<16xi32>, vector<16xi32>], vector<16xf32>, vector<16xi1>
      }
      %scan3A_465 = arith.constant 8 : i32
      %dma_start3A_466 = arith.constant 1 : i32
      %dma_start3A_467 = arith.constant 0 : i32
      %dma_start3A_468 = arith.constant 0 : i32
      %dma_start3A_469 = tpu.memref_slice %arg5[%dma_start3A_466, %dma_start3A_467, %dma_start3A_468] : memref<4x128x128xf32, #tpu.memory_space<vmem>> -> memref<1x128x128xf32, #tpu.memory_space<vmem>>
      %dma_start3A_470 = tpu.memref_squeeze %dma_start3A_469 : memref<1x128x128xf32, #tpu.memory_space<vmem>> -> memref<128x128xf32, #tpu.memory_space<vmem>>
      %dma_start3A_471 = arith.constant 128 : i32
      %dma_start3A_472 = tpu.memref_slice %arg3[%scan3A_385, %dma_start3A_471, %mul3A_2] : memref<26x1000x4096xf32, #tpu.memory_space<hbm>> -> memref<1x128x128xf32, #tpu.memory_space<hbm>>
      %dma_start3A_473 = tpu.memref_squeeze %dma_start3A_472 : memref<1x128x128xf32, #tpu.memory_space<hbm>> -> memref<128x128xf32, #tpu.memory_space<hbm>>
      %dma_start3A_474 = arith.constant 128 : i32
      %dma_start3A_475 = tpu.memref_slice %arg3[%scan3A_385, %dma_start3A_474, %mul3A_2] : memref<26x1000x4096xf32, #tpu.memory_space<hbm>> -> memref<1x128x128xf32, #tpu.memory_space<hbm>>
      %dma_start3A_476 = tpu.memref_squeeze %dma_start3A_475 : memref<1x128x128xf32, #tpu.memory_space<hbm>> -> memref<128x128xf32, #tpu.memory_space<hbm>>
      %dma_start3A_477 = arith.constant 0 : i32
      %dma_start3A_478 = arith.constant 0 : i32
      %dma_start3A_479 = tpu.memref_slice %arg5[%dma_start3A_466, %dma_start3A_477, %dma_start3A_478] : memref<4x128x128xf32, #tpu.memory_space<vmem>> -> memref<1x128x128xf32, #tpu.memory_space<vmem>>
      %dma_start3A_480 = tpu.memref_squeeze %dma_start3A_479 : memref<1x128x128xf32, #tpu.memory_space<vmem>> -> memref<128x128xf32, #tpu.memory_space<vmem>>
      tpu.enqueue_dma source(%dma_start3A_480 : memref<128x128xf32, #tpu.memory_space<vmem>>) target(%dma_start3A_476 : memref<128x128xf32, #tpu.memory_space<hbm>>) target_semaphore(%arg7 : memref<!tpu.dma_semaphore, #tpu.memory_space<semaphore_mem>>)
      %sub3A_481 = arith.constant 1 : i32
      %sub3A_482 = arith.subi %scan3A_385, %sub3A_481 : i32
      %dma_wait3A_483 = arith.constant 2 : i32
      %dma_wait3A_484 = arith.constant 0 : i32
      %dma_wait3A_485 = arith.constant 0 : i32
      %dma_wait3A_486 = tpu.memref_slice %arg5[%dma_wait3A_483, %dma_wait3A_484, %dma_wait3A_485] : memref<4x128x128xf32, #tpu.memory_space<vmem>> -> memref<1x104x128xf32, #tpu.memory_space<vmem>>
      %dma_wait3A_487 = tpu.memref_squeeze %dma_wait3A_486 : memref<1x104x128xf32, #tpu.memory_space<vmem>> -> memref<104x128xf32, #tpu.memory_space<vmem>>
      %dma_wait3A_488 = arith.constant 768 : i32
      %dma_wait3A_489 = tpu.memref_slice %arg3[%sub3A_482, %dma_wait3A_488, %mul3A_2] : memref<26x1000x4096xf32, #tpu.memory_space<hbm>> -> memref<1x104x128xf32, #tpu.memory_space<hbm>>
      %dma_wait3A_490 = tpu.memref_squeeze %dma_wait3A_489 : memref<1x104x128xf32, #tpu.memory_space<hbm>> -> memref<104x128xf32, #tpu.memory_space<hbm>>
      %dma_wait3A_491 = arith.constant 768 : i32
      %dma_wait3A_492 = tpu.memref_slice %arg3[%sub3A_482, %dma_wait3A_491, %mul3A_2] : memref<26x1000x4096xf32, #tpu.memory_space<hbm>> -> memref<1x104x128xf32, #tpu.memory_space<hbm>>
      %dma_wait3A_493 = tpu.memref_squeeze %dma_wait3A_492 : memref<1x104x128xf32, #tpu.memory_space<hbm>> -> memref<104x128xf32, #tpu.memory_space<hbm>>
      %dma_wait3A_494 = arith.constant 0 : i32
      %dma_wait3A_495 = arith.constant 0 : i32
      %dma_wait3A_496 = tpu.memref_slice %arg5[%dma_wait3A_483, %dma_wait3A_494, %dma_wait3A_495] : memref<4x128x128xf32, #tpu.memory_space<vmem>> -> memref<1x104x128xf32, #tpu.memory_space<vmem>>
      %dma_wait3A_497 = tpu.memref_squeeze %dma_wait3A_496 : memref<1x104x128xf32, #tpu.memory_space<vmem>> -> memref<104x128xf32, #tpu.memory_space<vmem>>
      tpu.wait_dma2 semaphore(%arg8 : memref<!tpu.dma_semaphore, #tpu.memory_space<semaphore_mem>>) src(%dma_wait3A_497 : memref<104x128xf32, #tpu.memory_space<vmem>>) dst(%dma_wait3A_493 : memref<104x128xf32, #tpu.memory_space<hbm>>)
      %broadcast_in_dim3A_498 = arith.constant 2 : i32
      %broadcast_in_dim3A_499 = vector.broadcast %broadcast_in_dim3A_498 : i32 to vector<16xi32>
      %scan3A_500 = arith.constant 0 : i32
      %scan3A_501 = arith.constant 0 : i32
      %scan3A_502 = arith.constant 8 : i32
      %scan3A_503 = arith.addi %scan3A_501, %scan3A_502 : i32
      %scan3A_504 = arith.constant 1 : i32
      scf.for %scan3A_761 = %scan3A_501 to %scan3A_503 step %scan3A_504  : i32 {
        %mul3A_762 = arith.constant 16 : i32
        %mul3A_763 = arith.muli %scan3A_761, %mul3A_762 : i32
        %get3A = arith.index_cast %sub3A_482 : i32 to index
        %get3A_764 = arith.index_cast %mul3A_763 : i32 to index
        %get3A_765 = tpu.vector_load %arg4[%get3A, %get3A_764] {strides = array<i32>} : memref<26x128xi32, #tpu.memory_space<vmem>>, vector<16xi32>,
        %ge3A = arith.constant 768 : i32
        %ge3A_766 = vector.broadcast %ge3A : i32 to vector<16xi32>
        %ge3A_767 = arith.cmpi sge, %get3A_765, %ge3A_766 : vector<16xi32>
        %lt3A = arith.constant 872 : i32
        %lt3A_768 = vector.broadcast %lt3A : i32 to vector<16xi32>
        %lt3A_769 = arith.cmpi slt, %get3A_765, %lt3A_768 : vector<16xi32>
        %and3A = arith.andi %ge3A_767, %lt3A_769 : vector<16xi1>
        %sub3A_770 = arith.constant 768 : i32
        %sub3A_771 = vector.broadcast %sub3A_770 : i32 to vector<16xi32>
        %sub3A_772 = arith.subi %get3A_765, %sub3A_771 : vector<16xi32>
        %mul3A_773 = arith.constant 16 : i32
        %mul3A_774 = arith.muli %scan3A_761, %mul3A_773 : i32
        %add3A_775 = vector.broadcast %mul3A_774 : i32 to vector<16xi32>
        %add3A_776 = arith.addi %add3A_775, %iota3A : vector<16xi32>
        tpu.vector_store_idx %arg5[%broadcast_in_dim3A_499, %sub3A_772, %add3A_776], %broadcast_in_dim3A_3 masked %and3A : memref<4x128x128xf32, #tpu.memory_space<vmem>>[vector<16xi32>, vector<16xi32>, vector<16xi32>], vector<16xf32>, vector<16xi1>
      }
      %scan3A_505 = arith.constant 8 : i32
      %broadcast_in_dim3A_506 = arith.constant 2 : i32
      %broadcast_in_dim3A_507 = vector.broadcast %broadcast_in_dim3A_506 : i32 to vector<16xi32>
      %scan3A_508 = arith.constant 0 : i32
      %scan3A_509 = arith.constant 0 : i32
      %scan3A_510 = arith.constant 8 : i32
      %scan3A_511 = arith.addi %scan3A_509, %scan3A_510 : i32
      %scan3A_512 = arith.constant 1 : i32
      scf.for %scan3A_761 = %scan3A_509 to %scan3A_511 step %scan3A_512  : i32 {
        %mul3A_762 = arith.constant 16 : i32
        %mul3A_763 = arith.muli %scan3A_761, %mul3A_762 : i32
        %get3A = arith.index_cast %scan3A_385 : i32 to index
        %get3A_764 = arith.index_cast %mul3A_763 : i32 to index
        %get3A_765 = tpu.vector_load %arg4[%get3A, %get3A_764] {strides = array<i32>} : memref<26x128xi32, #tpu.memory_space<vmem>>, vector<16xi32>,
        %ge3A = arith.constant 256 : i32
        %ge3A_766 = vector.broadcast %ge3A : i32 to vector<16xi32>
        %ge3A_767 = arith.cmpi sge, %get3A_765, %ge3A_766 : vector<16xi32>
        %lt3A = arith.constant 384 : i32
        %lt3A_768 = vector.broadcast %lt3A : i32 to vector<16xi32>
        %lt3A_769 = arith.cmpi slt, %get3A_765, %lt3A_768 : vector<16xi32>
        %and3A = arith.andi %ge3A_767, %lt3A_769 : vector<16xi1>
        %sub3A_770 = arith.constant 256 : i32
        %sub3A_771 = vector.broadcast %sub3A_770 : i32 to vector<16xi32>
        %sub3A_772 = arith.subi %get3A_765, %sub3A_771 : vector<16xi32>
        %mul3A_773 = arith.constant 16 : i32
        %mul3A_774 = arith.muli %scan3A_761, %mul3A_773 : i32
        %add3A_775 = vector.broadcast %mul3A_774 : i32 to vector<16xi32>
        %add3A_776 = arith.addi %add3A_775, %iota3A : vector<16xi32>
        tpu.vector_store_idx %arg5[%broadcast_in_dim3A_507, %sub3A_772, %add3A_776], %broadcast_in_dim3A_5 masked %and3A : memref<4x128x128xf32, #tpu.memory_space<vmem>>[vector<16xi32>, vector<16xi32>, vector<16xi32>], vector<16xf32>, vector<16xi1>
      }
      %scan3A_513 = arith.constant 8 : i32
      %dma_start3A_514 = arith.constant 2 : i32
      %dma_start3A_515 = arith.constant 0 : i32
      %dma_start3A_516 = arith.constant 0 : i32
      %dma_start3A_517 = tpu.memref_slice %arg5[%dma_start3A_514, %dma_start3A_515, %dma_start3A_516] : memref<4x128x128xf32, #tpu.memory_space<vmem>> -> memref<1x128x128xf32, #tpu.memory_space<vmem>>
      %dma_start3A_518 = tpu.memref_squeeze %dma_start3A_517 : memref<1x128x128xf32, #tpu.memory_space<vmem>> -> memref<128x128xf32, #tpu.memory_space<vmem>>
      %dma_start3A_519 = arith.constant 256 : i32
      %dma_start3A_520 = tpu.memref_slice %arg3[%scan3A_385, %dma_start3A_519, %mul3A_2] : memref<26x1000x4096xf32, #tpu.memory_space<hbm>> -> memref<1x128x128xf32, #tpu.memory_space<hbm>>
      %dma_start3A_521 = tpu.memref_squeeze %dma_start3A_520 : memref<1x128x128xf32, #tpu.memory_space<hbm>> -> memref<128x128xf32, #tpu.memory_space<hbm>>
      %dma_start3A_522 = arith.constant 256 : i32
      %dma_start3A_523 = tpu.memref_slice %arg3[%scan3A_385, %dma_start3A_522, %mul3A_2] : memref<26x1000x4096xf32, #tpu.memory_space<hbm>> -> memref<1x128x128xf32, #tpu.memory_space<hbm>>
      %dma_start3A_524 = tpu.memref_squeeze %dma_start3A_523 : memref<1x128x128xf32, #tpu.memory_space<hbm>> -> memref<128x128xf32, #tpu.memory_space<hbm>>
      %dma_start3A_525 = arith.constant 0 : i32
      %dma_start3A_526 = arith.constant 0 : i32
      %dma_start3A_527 = tpu.memref_slice %arg5[%dma_start3A_514, %dma_start3A_525, %dma_start3A_526] : memref<4x128x128xf32, #tpu.memory_space<vmem>> -> memref<1x128x128xf32, #tpu.memory_space<vmem>>
      %dma_start3A_528 = tpu.memref_squeeze %dma_start3A_527 : memref<1x128x128xf32, #tpu.memory_space<vmem>> -> memref<128x128xf32, #tpu.memory_space<vmem>>
      tpu.enqueue_dma source(%dma_start3A_528 : memref<128x128xf32, #tpu.memory_space<vmem>>) target(%dma_start3A_524 : memref<128x128xf32, #tpu.memory_space<hbm>>) target_semaphore(%arg8 : memref<!tpu.dma_semaphore, #tpu.memory_space<semaphore_mem>>)
      %sub3A_529 = arith.constant 1 : i32
      %sub3A_530 = arith.subi %scan3A_385, %sub3A_529 : i32
      %dma_wait3A_531 = arith.constant 3 : i32
      %dma_wait3A_532 = arith.constant 0 : i32
      %dma_wait3A_533 = arith.constant 0 : i32
      %dma_wait3A_534 = tpu.memref_slice %arg5[%dma_wait3A_531, %dma_wait3A_532, %dma_wait3A_533] : memref<4x128x128xf32, #tpu.memory_space<vmem>> -> memref<1x128x128xf32, #tpu.memory_space<vmem>>
      %dma_wait3A_535 = tpu.memref_squeeze %dma_wait3A_534 : memref<1x128x128xf32, #tpu.memory_space<vmem>> -> memref<128x128xf32, #tpu.memory_space<vmem>>
      %dma_wait3A_536 = arith.constant 872 : i32
      %dma_wait3A_537 = tpu.memref_slice %arg3[%sub3A_530, %dma_wait3A_536, %mul3A_2] : memref<26x1000x4096xf32, #tpu.memory_space<hbm>> -> memref<1x128x128xf32, #tpu.memory_space<hbm>>
      %dma_wait3A_538 = tpu.memref_squeeze %dma_wait3A_537 : memref<1x128x128xf32, #tpu.memory_space<hbm>> -> memref<128x128xf32, #tpu.memory_space<hbm>>
      %dma_wait3A_539 = arith.constant 872 : i32
      %dma_wait3A_540 = tpu.memref_slice %arg3[%sub3A_530, %dma_wait3A_539, %mul3A_2] : memref<26x1000x4096xf32, #tpu.memory_space<hbm>> -> memref<1x128x128xf32, #tpu.memory_space<hbm>>
      %dma_wait3A_541 = tpu.memref_squeeze %dma_wait3A_540 : memref<1x128x128xf32, #tpu.memory_space<hbm>> -> memref<128x128xf32, #tpu.memory_space<hbm>>
      %dma_wait3A_542 = arith.constant 0 : i32
      %dma_wait3A_543 = arith.constant 0 : i32
      %dma_wait3A_544 = tpu.memref_slice %arg5[%dma_wait3A_531, %dma_wait3A_542, %dma_wait3A_543] : memref<4x128x128xf32, #tpu.memory_space<vmem>> -> memref<1x128x128xf32, #tpu.memory_space<vmem>>
      %dma_wait3A_545 = tpu.memref_squeeze %dma_wait3A_544 : memref<1x128x128xf32, #tpu.memory_space<vmem>> -> memref<128x128xf32, #tpu.memory_space<vmem>>
      tpu.wait_dma2 semaphore(%arg9 : memref<!tpu.dma_semaphore, #tpu.memory_space<semaphore_mem>>) src(%dma_wait3A_545 : memref<128x128xf32, #tpu.memory_space<vmem>>) dst(%dma_wait3A_541 : memref<128x128xf32, #tpu.memory_space<hbm>>)
      %broadcast_in_dim3A_546 = arith.constant 3 : i32
      %broadcast_in_dim3A_547 = vector.broadcast %broadcast_in_dim3A_546 : i32 to vector<16xi32>
      %scan3A_548 = arith.constant 0 : i32
      %scan3A_549 = arith.constant 0 : i32
      %scan3A_550 = arith.constant 8 : i32
      %scan3A_551 = arith.addi %scan3A_549, %scan3A_550 : i32
      %scan3A_552 = arith.constant 1 : i32
      scf.for %scan3A_761 = %scan3A_549 to %scan3A_551 step %scan3A_552  : i32 {
        %mul3A_762 = arith.constant 16 : i32
        %mul3A_763 = arith.muli %scan3A_761, %mul3A_762 : i32
        %get3A = arith.index_cast %sub3A_530 : i32 to index
        %get3A_764 = arith.index_cast %mul3A_763 : i32 to index
        %get3A_765 = tpu.vector_load %arg4[%get3A, %get3A_764] {strides = array<i32>} : memref<26x128xi32, #tpu.memory_space<vmem>>, vector<16xi32>,
        %ge3A = arith.constant 872 : i32
        %ge3A_766 = vector.broadcast %ge3A : i32 to vector<16xi32>
        %ge3A_767 = arith.cmpi sge, %get3A_765, %ge3A_766 : vector<16xi32>
        %lt3A = arith.constant 1000 : i32
        %lt3A_768 = vector.broadcast %lt3A : i32 to vector<16xi32>
        %lt3A_769 = arith.cmpi slt, %get3A_765, %lt3A_768 : vector<16xi32>
        %and3A = arith.andi %ge3A_767, %lt3A_769 : vector<16xi1>
        %sub3A_770 = arith.constant 872 : i32
        %sub3A_771 = vector.broadcast %sub3A_770 : i32 to vector<16xi32>
        %sub3A_772 = arith.subi %get3A_765, %sub3A_771 : vector<16xi32>
        %mul3A_773 = arith.constant 16 : i32
        %mul3A_774 = arith.muli %scan3A_761, %mul3A_773 : i32
        %add3A_775 = vector.broadcast %mul3A_774 : i32 to vector<16xi32>
        %add3A_776 = arith.addi %add3A_775, %iota3A : vector<16xi32>
        tpu.vector_store_idx %arg5[%broadcast_in_dim3A_547, %sub3A_772, %add3A_776], %broadcast_in_dim3A_3 masked %and3A : memref<4x128x128xf32, #tpu.memory_space<vmem>>[vector<16xi32>, vector<16xi32>, vector<16xi32>], vector<16xf32>, vector<16xi1>
      }
      %scan3A_553 = arith.constant 8 : i32
      %broadcast_in_dim3A_554 = arith.constant 3 : i32
      %broadcast_in_dim3A_555 = vector.broadcast %broadcast_in_dim3A_554 : i32 to vector<16xi32>
      %scan3A_556 = arith.constant 0 : i32
      %scan3A_557 = arith.constant 0 : i32
      %scan3A_558 = arith.constant 8 : i32
      %scan3A_559 = arith.addi %scan3A_557, %scan3A_558 : i32
      %scan3A_560 = arith.constant 1 : i32
      scf.for %scan3A_761 = %scan3A_557 to %scan3A_559 step %scan3A_560  : i32 {
        %mul3A_762 = arith.constant 16 : i32
        %mul3A_763 = arith.muli %scan3A_761, %mul3A_762 : i32
        %get3A = arith.index_cast %scan3A_385 : i32 to index
        %get3A_764 = arith.index_cast %mul3A_763 : i32 to index
        %get3A_765 = tpu.vector_load %arg4[%get3A, %get3A_764] {strides = array<i32>} : memref<26x128xi32, #tpu.memory_space<vmem>>, vector<16xi32>,
        %ge3A = arith.constant 384 : i32
        %ge3A_766 = vector.broadcast %ge3A : i32 to vector<16xi32>
        %ge3A_767 = arith.cmpi sge, %get3A_765, %ge3A_766 : vector<16xi32>
        %lt3A = arith.constant 512 : i32
        %lt3A_768 = vector.broadcast %lt3A : i32 to vector<16xi32>
        %lt3A_769 = arith.cmpi slt, %get3A_765, %lt3A_768 : vector<16xi32>
        %and3A = arith.andi %ge3A_767, %lt3A_769 : vector<16xi1>
        %sub3A_770 = arith.constant 384 : i32
        %sub3A_771 = vector.broadcast %sub3A_770 : i32 to vector<16xi32>
        %sub3A_772 = arith.subi %get3A_765, %sub3A_771 : vector<16xi32>
        %mul3A_773 = arith.constant 16 : i32
        %mul3A_774 = arith.muli %scan3A_761, %mul3A_773 : i32
        %add3A_775 = vector.broadcast %mul3A_774 : i32 to vector<16xi32>
        %add3A_776 = arith.addi %add3A_775, %iota3A : vector<16xi32>
        tpu.vector_store_idx %arg5[%broadcast_in_dim3A_555, %sub3A_772, %add3A_776], %broadcast_in_dim3A_5 masked %and3A : memref<4x128x128xf32, #tpu.memory_space<vmem>>[vector<16xi32>, vector<16xi32>, vector<16xi32>], vector<16xf32>, vector<16xi1>
      }
      %scan3A_561 = arith.constant 8 : i32
      %dma_start3A_562 = arith.constant 3 : i32
      %dma_start3A_563 = arith.constant 0 : i32
      %dma_start3A_564 = arith.constant 0 : i32
      %dma_start3A_565 = tpu.memref_slice %arg5[%dma_start3A_562, %dma_start3A_563, %dma_start3A_564] : memref<4x128x128xf32, #tpu.memory_space<vmem>> -> memref<1x128x128xf32, #tpu.memory_space<vmem>>
      %dma_start3A_566 = tpu.memref_squeeze %dma_start3A_565 : memref<1x128x128xf32, #tpu.memory_space<vmem>> -> memref<128x128xf32, #tpu.memory_space<vmem>>
      %dma_start3A_567 = arith.constant 384 : i32
      %dma_start3A_568 = tpu.memref_slice %arg3[%scan3A_385, %dma_start3A_567, %mul3A_2] : memref<26x1000x4096xf32, #tpu.memory_space<hbm>> -> memref<1x128x128xf32, #tpu.memory_space<hbm>>
      %dma_start3A_569 = tpu.memref_squeeze %dma_start3A_568 : memref<1x128x128xf32, #tpu.memory_space<hbm>> -> memref<128x128xf32, #tpu.memory_space<hbm>>
      %dma_start3A_570 = arith.constant 384 : i32
      %dma_start3A_571 = tpu.memref_slice %arg3[%scan3A_385, %dma_start3A_570, %mul3A_2] : memref<26x1000x4096xf32, #tpu.memory_space<hbm>> -> memref<1x128x128xf32, #tpu.memory_space<hbm>>
      %dma_start3A_572 = tpu.memref_squeeze %dma_start3A_571 : memref<1x128x128xf32, #tpu.memory_space<hbm>> -> memref<128x128xf32, #tpu.memory_space<hbm>>
      %dma_start3A_573 = arith.constant 0 : i32
      %dma_start3A_574 = arith.constant 0 : i32
      %dma_start3A_575 = tpu.memref_slice %arg5[%dma_start3A_562, %dma_start3A_573, %dma_start3A_574] : memref<4x128x128xf32, #tpu.memory_space<vmem>> -> memref<1x128x128xf32, #tpu.memory_space<vmem>>
      %dma_start3A_576 = tpu.memref_squeeze %dma_start3A_575 : memref<1x128x128xf32, #tpu.memory_space<vmem>> -> memref<128x128xf32, #tpu.memory_space<vmem>>
      tpu.enqueue_dma source(%dma_start3A_576 : memref<128x128xf32, #tpu.memory_space<vmem>>) target(%dma_start3A_572 : memref<128x128xf32, #tpu.memory_space<hbm>>) target_semaphore(%arg9 : memref<!tpu.dma_semaphore, #tpu.memory_space<semaphore_mem>>)
      %dma_wait3A_577 = arith.constant 0 : i32
      %dma_wait3A_578 = arith.constant 0 : i32
      %dma_wait3A_579 = arith.constant 0 : i32
      %dma_wait3A_580 = tpu.memref_slice %arg5[%dma_wait3A_577, %dma_wait3A_578, %dma_wait3A_579] : memref<4x128x128xf32, #tpu.memory_space<vmem>> -> memref<1x128x128xf32, #tpu.memory_space<vmem>>
      %dma_wait3A_581 = tpu.memref_squeeze %dma_wait3A_580 : memref<1x128x128xf32, #tpu.memory_space<vmem>> -> memref<128x128xf32, #tpu.memory_space<vmem>>
      %dma_wait3A_582 = arith.constant 0 : i32
      %dma_wait3A_583 = tpu.memref_slice %arg3[%scan3A_385, %dma_wait3A_582, %mul3A_2] : memref<26x1000x4096xf32, #tpu.memory_space<hbm>> -> memref<1x128x128xf32, #tpu.memory_space<hbm>>
      %dma_wait3A_584 = tpu.memref_squeeze %dma_wait3A_583 : memref<1x128x128xf32, #tpu.memory_space<hbm>> -> memref<128x128xf32, #tpu.memory_space<hbm>>
      %dma_wait3A_585 = arith.constant 0 : i32
      %dma_wait3A_586 = tpu.memref_slice %arg3[%scan3A_385, %dma_wait3A_585, %mul3A_2] : memref<26x1000x4096xf32, #tpu.memory_space<hbm>> -> memref<1x128x128xf32, #tpu.memory_space<hbm>>
      %dma_wait3A_587 = tpu.memref_squeeze %dma_wait3A_586 : memref<1x128x128xf32, #tpu.memory_space<hbm>> -> memref<128x128xf32, #tpu.memory_space<hbm>>
      %dma_wait3A_588 = arith.constant 0 : i32
      %dma_wait3A_589 = arith.constant 0 : i32
      %dma_wait3A_590 = tpu.memref_slice %arg5[%dma_wait3A_577, %dma_wait3A_588, %dma_wait3A_589] : memref<4x128x128xf32, #tpu.memory_space<vmem>> -> memref<1x128x128xf32, #tpu.memory_space<vmem>>
      %dma_wait3A_591 = tpu.memref_squeeze %dma_wait3A_590 : memref<1x128x128xf32, #tpu.memory_space<vmem>> -> memref<128x128xf32, #tpu.memory_space<vmem>>
      tpu.wait_dma2 semaphore(%arg6 : memref<!tpu.dma_semaphore, #tpu.memory_space<semaphore_mem>>) src(%dma_wait3A_591 : memref<128x128xf32, #tpu.memory_space<vmem>>) dst(%dma_wait3A_587 : memref<128x128xf32, #tpu.memory_space<hbm>>)
      %broadcast_in_dim3A_592 = arith.constant 0 : i32
      %broadcast_in_dim3A_593 = vector.broadcast %broadcast_in_dim3A_592 : i32 to vector<16xi32>
      %scan3A_594 = arith.constant 0 : i32
      %scan3A_595 = arith.constant 0 : i32
      %scan3A_596 = arith.constant 8 : i32
      %scan3A_597 = arith.addi %scan3A_595, %scan3A_596 : i32
      %scan3A_598 = arith.constant 1 : i32
      scf.for %scan3A_761 = %scan3A_595 to %scan3A_597 step %scan3A_598  : i32 {
        %mul3A_762 = arith.constant 16 : i32
        %mul3A_763 = arith.muli %scan3A_761, %mul3A_762 : i32
        %get3A = arith.index_cast %scan3A_385 : i32 to index
        %get3A_764 = arith.index_cast %mul3A_763 : i32 to index
        %get3A_765 = tpu.vector_load %arg4[%get3A, %get3A_764] {strides = array<i32>} : memref<26x128xi32, #tpu.memory_space<vmem>>, vector<16xi32>,
        %ge3A = arith.constant 0 : i32
        %ge3A_766 = vector.broadcast %ge3A : i32 to vector<16xi32>
        %ge3A_767 = arith.cmpi sge, %get3A_765, %ge3A_766 : vector<16xi32>
        %lt3A = arith.constant 128 : i32
        %lt3A_768 = vector.broadcast %lt3A : i32 to vector<16xi32>
        %lt3A_769 = arith.cmpi slt, %get3A_765, %lt3A_768 : vector<16xi32>
        %and3A = arith.andi %ge3A_767, %lt3A_769 : vector<16xi1>
        %sub3A_770 = arith.constant 0 : i32
        %sub3A_771 = vector.broadcast %sub3A_770 : i32 to vector<16xi32>
        %sub3A_772 = arith.subi %get3A_765, %sub3A_771 : vector<16xi32>
        %mul3A_773 = arith.constant 16 : i32
        %mul3A_774 = arith.muli %scan3A_761, %mul3A_773 : i32
        %add3A_775 = vector.broadcast %mul3A_774 : i32 to vector<16xi32>
        %add3A_776 = arith.addi %add3A_775, %iota3A : vector<16xi32>
        tpu.vector_store_idx %arg5[%broadcast_in_dim3A_593, %sub3A_772, %add3A_776], %broadcast_in_dim3A_3 masked %and3A : memref<4x128x128xf32, #tpu.memory_space<vmem>>[vector<16xi32>, vector<16xi32>, vector<16xi32>], vector<16xf32>, vector<16xi1>
      }
      %scan3A_599 = arith.constant 8 : i32
      %broadcast_in_dim3A_600 = arith.constant 0 : i32
      %broadcast_in_dim3A_601 = vector.broadcast %broadcast_in_dim3A_600 : i32 to vector<16xi32>
      %scan3A_602 = arith.constant 0 : i32
      %scan3A_603 = arith.constant 0 : i32
      %scan3A_604 = arith.constant 8 : i32
      %scan3A_605 = arith.addi %scan3A_603, %scan3A_604 : i32
      %scan3A_606 = arith.constant 1 : i32
      scf.for %scan3A_761 = %scan3A_603 to %scan3A_605 step %scan3A_606  : i32 {
        %mul3A_762 = arith.constant 16 : i32
        %mul3A_763 = arith.muli %scan3A_761, %mul3A_762 : i32
        %get3A = arith.index_cast %scan3A_385 : i32 to index
        %get3A_764 = arith.index_cast %mul3A_763 : i32 to index
        %get3A_765 = tpu.vector_load %arg4[%get3A, %get3A_764] {strides = array<i32>} : memref<26x128xi32, #tpu.memory_space<vmem>>, vector<16xi32>,
        %ge3A = arith.constant 512 : i32
        %ge3A_766 = vector.broadcast %ge3A : i32 to vector<16xi32>
        %ge3A_767 = arith.cmpi sge, %get3A_765, %ge3A_766 : vector<16xi32>
        %lt3A = arith.constant 640 : i32
        %lt3A_768 = vector.broadcast %lt3A : i32 to vector<16xi32>
        %lt3A_769 = arith.cmpi slt, %get3A_765, %lt3A_768 : vector<16xi32>
        %and3A = arith.andi %ge3A_767, %lt3A_769 : vector<16xi1>
        %sub3A_770 = arith.constant 512 : i32
        %sub3A_771 = vector.broadcast %sub3A_770 : i32 to vector<16xi32>
        %sub3A_772 = arith.subi %get3A_765, %sub3A_771 : vector<16xi32>
        %mul3A_773 = arith.constant 16 : i32
        %mul3A_774 = arith.muli %scan3A_761, %mul3A_773 : i32
        %add3A_775 = vector.broadcast %mul3A_774 : i32 to vector<16xi32>
        %add3A_776 = arith.addi %add3A_775, %iota3A : vector<16xi32>
        tpu.vector_store_idx %arg5[%broadcast_in_dim3A_601, %sub3A_772, %add3A_776], %broadcast_in_dim3A_5 masked %and3A : memref<4x128x128xf32, #tpu.memory_space<vmem>>[vector<16xi32>, vector<16xi32>, vector<16xi32>], vector<16xf32>, vector<16xi1>
      }
      %scan3A_607 = arith.constant 8 : i32
      %dma_start3A_608 = arith.constant 0 : i32
      %dma_start3A_609 = arith.constant 0 : i32
      %dma_start3A_610 = arith.constant 0 : i32
      %dma_start3A_611 = tpu.memref_slice %arg5[%dma_start3A_608, %dma_start3A_609, %dma_start3A_610] : memref<4x128x128xf32, #tpu.memory_space<vmem>> -> memref<1x128x128xf32, #tpu.memory_space<vmem>>
      %dma_start3A_612 = tpu.memref_squeeze %dma_start3A_611 : memref<1x128x128xf32, #tpu.memory_space<vmem>> -> memref<128x128xf32, #tpu.memory_space<vmem>>
      %dma_start3A_613 = arith.constant 512 : i32
      %dma_start3A_614 = tpu.memref_slice %arg3[%scan3A_385, %dma_start3A_613, %mul3A_2] : memref<26x1000x4096xf32, #tpu.memory_space<hbm>> -> memref<1x128x128xf32, #tpu.memory_space<hbm>>
      %dma_start3A_615 = tpu.memref_squeeze %dma_start3A_614 : memref<1x128x128xf32, #tpu.memory_space<hbm>> -> memref<128x128xf32, #tpu.memory_space<hbm>>
      %dma_start3A_616 = arith.constant 512 : i32
      %dma_start3A_617 = tpu.memref_slice %arg3[%scan3A_385, %dma_start3A_616, %mul3A_2] : memref<26x1000x4096xf32, #tpu.memory_space<hbm>> -> memref<1x128x128xf32, #tpu.memory_space<hbm>>
      %dma_start3A_618 = tpu.memref_squeeze %dma_start3A_617 : memref<1x128x128xf32, #tpu.memory_space<hbm>> -> memref<128x128xf32, #tpu.memory_space<hbm>>
      %dma_start3A_619 = arith.constant 0 : i32
      %dma_start3A_620 = arith.constant 0 : i32
      %dma_start3A_621 = tpu.memref_slice %arg5[%dma_start3A_608, %dma_start3A_619, %dma_start3A_620] : memref<4x128x128xf32, #tpu.memory_space<vmem>> -> memref<1x128x128xf32, #tpu.memory_space<vmem>>
      %dma_start3A_622 = tpu.memref_squeeze %dma_start3A_621 : memref<1x128x128xf32, #tpu.memory_space<vmem>> -> memref<128x128xf32, #tpu.memory_space<vmem>>
      tpu.enqueue_dma source(%dma_start3A_622 : memref<128x128xf32, #tpu.memory_space<vmem>>) target(%dma_start3A_618 : memref<128x128xf32, #tpu.memory_space<hbm>>) target_semaphore(%arg6 : memref<!tpu.dma_semaphore, #tpu.memory_space<semaphore_mem>>)
      %dma_wait3A_623 = arith.constant 1 : i32
      %dma_wait3A_624 = arith.constant 0 : i32
      %dma_wait3A_625 = arith.constant 0 : i32
      %dma_wait3A_626 = tpu.memref_slice %arg5[%dma_wait3A_623, %dma_wait3A_624, %dma_wait3A_625] : memref<4x128x128xf32, #tpu.memory_space<vmem>> -> memref<1x128x128xf32, #tpu.memory_space<vmem>>
      %dma_wait3A_627 = tpu.memref_squeeze %dma_wait3A_626 : memref<1x128x128xf32, #tpu.memory_space<vmem>> -> memref<128x128xf32, #tpu.memory_space<vmem>>
      %dma_wait3A_628 = arith.constant 128 : i32
      %dma_wait3A_629 = tpu.memref_slice %arg3[%scan3A_385, %dma_wait3A_628, %mul3A_2] : memref<26x1000x4096xf32, #tpu.memory_space<hbm>> -> memref<1x128x128xf32, #tpu.memory_space<hbm>>
      %dma_wait3A_630 = tpu.memref_squeeze %dma_wait3A_629 : memref<1x128x128xf32, #tpu.memory_space<hbm>> -> memref<128x128xf32, #tpu.memory_space<hbm>>
      %dma_wait3A_631 = arith.constant 128 : i32
      %dma_wait3A_632 = tpu.memref_slice %arg3[%scan3A_385, %dma_wait3A_631, %mul3A_2] : memref<26x1000x4096xf32, #tpu.memory_space<hbm>> -> memref<1x128x128xf32, #tpu.memory_space<hbm>>
      %dma_wait3A_633 = tpu.memref_squeeze %dma_wait3A_632 : memref<1x128x128xf32, #tpu.memory_space<hbm>> -> memref<128x128xf32, #tpu.memory_space<hbm>>
      %dma_wait3A_634 = arith.constant 0 : i32
      %dma_wait3A_635 = arith.constant 0 : i32
      %dma_wait3A_636 = tpu.memref_slice %arg5[%dma_wait3A_623, %dma_wait3A_634, %dma_wait3A_635] : memref<4x128x128xf32, #tpu.memory_space<vmem>> -> memref<1x128x128xf32, #tpu.memory_space<vmem>>
      %dma_wait3A_637 = tpu.memref_squeeze %dma_wait3A_636 : memref<1x128x128xf32, #tpu.memory_space<vmem>> -> memref<128x128xf32, #tpu.memory_space<vmem>>
      tpu.wait_dma2 semaphore(%arg7 : memref<!tpu.dma_semaphore, #tpu.memory_space<semaphore_mem>>) src(%dma_wait3A_637 : memref<128x128xf32, #tpu.memory_space<vmem>>) dst(%dma_wait3A_633 : memref<128x128xf32, #tpu.memory_space<hbm>>)
      %broadcast_in_dim3A_638 = arith.constant 1 : i32
      %broadcast_in_dim3A_639 = vector.broadcast %broadcast_in_dim3A_638 : i32 to vector<16xi32>
      %scan3A_640 = arith.constant 0 : i32
      %scan3A_641 = arith.constant 0 : i32
      %scan3A_642 = arith.constant 8 : i32
      %scan3A_643 = arith.addi %scan3A_641, %scan3A_642 : i32
      %scan3A_644 = arith.constant 1 : i32
      scf.for %scan3A_761 = %scan3A_641 to %scan3A_643 step %scan3A_644  : i32 {
        %mul3A_762 = arith.constant 16 : i32
        %mul3A_763 = arith.muli %scan3A_761, %mul3A_762 : i32
        %get3A = arith.index_cast %scan3A_385 : i32 to index
        %get3A_764 = arith.index_cast %mul3A_763 : i32 to index
        %get3A_765 = tpu.vector_load %arg4[%get3A, %get3A_764] {strides = array<i32>} : memref<26x128xi32, #tpu.memory_space<vmem>>, vector<16xi32>,
        %ge3A = arith.constant 128 : i32
        %ge3A_766 = vector.broadcast %ge3A : i32 to vector<16xi32>
        %ge3A_767 = arith.cmpi sge, %get3A_765, %ge3A_766 : vector<16xi32>
        %lt3A = arith.constant 256 : i32
        %lt3A_768 = vector.broadcast %lt3A : i32 to vector<16xi32>
        %lt3A_769 = arith.cmpi slt, %get3A_765, %lt3A_768 : vector<16xi32>
        %and3A = arith.andi %ge3A_767, %lt3A_769 : vector<16xi1>
        %sub3A_770 = arith.constant 128 : i32
        %sub3A_771 = vector.broadcast %sub3A_770 : i32 to vector<16xi32>
        %sub3A_772 = arith.subi %get3A_765, %sub3A_771 : vector<16xi32>
        %mul3A_773 = arith.constant 16 : i32
        %mul3A_774 = arith.muli %scan3A_761, %mul3A_773 : i32
        %add3A_775 = vector.broadcast %mul3A_774 : i32 to vector<16xi32>
        %add3A_776 = arith.addi %add3A_775, %iota3A : vector<16xi32>
        tpu.vector_store_idx %arg5[%broadcast_in_dim3A_639, %sub3A_772, %add3A_776], %broadcast_in_dim3A_3 masked %and3A : memref<4x128x128xf32, #tpu.memory_space<vmem>>[vector<16xi32>, vector<16xi32>, vector<16xi32>], vector<16xf32>, vector<16xi1>
      }
      %scan3A_645 = arith.constant 8 : i32
      %broadcast_in_dim3A_646 = arith.constant 1 : i32
      %broadcast_in_dim3A_647 = vector.broadcast %broadcast_in_dim3A_646 : i32 to vector<16xi32>
      %scan3A_648 = arith.constant 0 : i32
      %scan3A_649 = arith.constant 0 : i32
      %scan3A_650 = arith.constant 8 : i32
      %scan3A_651 = arith.addi %scan3A_649, %scan3A_650 : i32
      %scan3A_652 = arith.constant 1 : i32
      scf.for %scan3A_761 = %scan3A_649 to %scan3A_651 step %scan3A_652  : i32 {
        %mul3A_762 = arith.constant 16 : i32
        %mul3A_763 = arith.muli %scan3A_761, %mul3A_762 : i32
        %get3A = arith.index_cast %scan3A_385 : i32 to index
        %get3A_764 = arith.index_cast %mul3A_763 : i32 to index
        %get3A_765 = tpu.vector_load %arg4[%get3A, %get3A_764] {strides = array<i32>} : memref<26x128xi32, #tpu.memory_space<vmem>>, vector<16xi32>,
        %ge3A = arith.constant 640 : i32
        %ge3A_766 = vector.broadcast %ge3A : i32 to vector<16xi32>
        %ge3A_767 = arith.cmpi sge, %get3A_765, %ge3A_766 : vector<16xi32>
        %lt3A = arith.constant 768 : i32
        %lt3A_768 = vector.broadcast %lt3A : i32 to vector<16xi32>
        %lt3A_769 = arith.cmpi slt, %get3A_765, %lt3A_768 : vector<16xi32>
        %and3A = arith.andi %ge3A_767, %lt3A_769 : vector<16xi1>
        %sub3A_770 = arith.constant 640 : i32
        %sub3A_771 = vector.broadcast %sub3A_770 : i32 to vector<16xi32>
        %sub3A_772 = arith.subi %get3A_765, %sub3A_771 : vector<16xi32>
        %mul3A_773 = arith.constant 16 : i32
        %mul3A_774 = arith.muli %scan3A_761, %mul3A_773 : i32
        %add3A_775 = vector.broadcast %mul3A_774 : i32 to vector<16xi32>
        %add3A_776 = arith.addi %add3A_775, %iota3A : vector<16xi32>
        tpu.vector_store_idx %arg5[%broadcast_in_dim3A_647, %sub3A_772, %add3A_776], %broadcast_in_dim3A_5 masked %and3A : memref<4x128x128xf32, #tpu.memory_space<vmem>>[vector<16xi32>, vector<16xi32>, vector<16xi32>], vector<16xf32>, vector<16xi1>
      }
      %scan3A_653 = arith.constant 8 : i32
      %dma_start3A_654 = arith.constant 1 : i32
      %dma_start3A_655 = arith.constant 0 : i32
      %dma_start3A_656 = arith.constant 0 : i32
      %dma_start3A_657 = tpu.memref_slice %arg5[%dma_start3A_654, %dma_start3A_655, %dma_start3A_656] : memref<4x128x128xf32, #tpu.memory_space<vmem>> -> memref<1x128x128xf32, #tpu.memory_space<vmem>>
      %dma_start3A_658 = tpu.memref_squeeze %dma_start3A_657 : memref<1x128x128xf32, #tpu.memory_space<vmem>> -> memref<128x128xf32, #tpu.memory_space<vmem>>
      %dma_start3A_659 = arith.constant 640 : i32
      %dma_start3A_660 = tpu.memref_slice %arg3[%scan3A_385, %dma_start3A_659, %mul3A_2] : memref<26x1000x4096xf32, #tpu.memory_space<hbm>> -> memref<1x128x128xf32, #tpu.memory_space<hbm>>
      %dma_start3A_661 = tpu.memref_squeeze %dma_start3A_660 : memref<1x128x128xf32, #tpu.memory_space<hbm>> -> memref<128x128xf32, #tpu.memory_space<hbm>>
      %dma_start3A_662 = arith.constant 640 : i32
      %dma_start3A_663 = tpu.memref_slice %arg3[%scan3A_385, %dma_start3A_662, %mul3A_2] : memref<26x1000x4096xf32, #tpu.memory_space<hbm>> -> memref<1x128x128xf32, #tpu.memory_space<hbm>>
      %dma_start3A_664 = tpu.memref_squeeze %dma_start3A_663 : memref<1x128x128xf32, #tpu.memory_space<hbm>> -> memref<128x128xf32, #tpu.memory_space<hbm>>
      %dma_start3A_665 = arith.constant 0 : i32
      %dma_start3A_666 = arith.constant 0 : i32
      %dma_start3A_667 = tpu.memref_slice %arg5[%dma_start3A_654, %dma_start3A_665, %dma_start3A_666] : memref<4x128x128xf32, #tpu.memory_space<vmem>> -> memref<1x128x128xf32, #tpu.memory_space<vmem>>
      %dma_start3A_668 = tpu.memref_squeeze %dma_start3A_667 : memref<1x128x128xf32, #tpu.memory_space<vmem>> -> memref<128x128xf32, #tpu.memory_space<vmem>>
      tpu.enqueue_dma source(%dma_start3A_668 : memref<128x128xf32, #tpu.memory_space<vmem>>) target(%dma_start3A_664 : memref<128x128xf32, #tpu.memory_space<hbm>>) target_semaphore(%arg7 : memref<!tpu.dma_semaphore, #tpu.memory_space<semaphore_mem>>)
      %dma_wait3A_669 = arith.constant 2 : i32
      %dma_wait3A_670 = arith.constant 0 : i32
      %dma_wait3A_671 = arith.constant 0 : i32
      %dma_wait3A_672 = tpu.memref_slice %arg5[%dma_wait3A_669, %dma_wait3A_670, %dma_wait3A_671] : memref<4x128x128xf32, #tpu.memory_space<vmem>> -> memref<1x128x128xf32, #tpu.memory_space<vmem>>
      %dma_wait3A_673 = tpu.memref_squeeze %dma_wait3A_672 : memref<1x128x128xf32, #tpu.memory_space<vmem>> -> memref<128x128xf32, #tpu.memory_space<vmem>>
      %dma_wait3A_674 = arith.constant 256 : i32
      %dma_wait3A_675 = tpu.memref_slice %arg3[%scan3A_385, %dma_wait3A_674, %mul3A_2] : memref<26x1000x4096xf32, #tpu.memory_space<hbm>> -> memref<1x128x128xf32, #tpu.memory_space<hbm>>
      %dma_wait3A_676 = tpu.memref_squeeze %dma_wait3A_675 : memref<1x128x128xf32, #tpu.memory_space<hbm>> -> memref<128x128xf32, #tpu.memory_space<hbm>>
      %dma_wait3A_677 = arith.constant 256 : i32
      %dma_wait3A_678 = tpu.memref_slice %arg3[%scan3A_385, %dma_wait3A_677, %mul3A_2] : memref<26x1000x4096xf32, #tpu.memory_space<hbm>> -> memref<1x128x128xf32, #tpu.memory_space<hbm>>
      %dma_wait3A_679 = tpu.memref_squeeze %dma_wait3A_678 : memref<1x128x128xf32, #tpu.memory_space<hbm>> -> memref<128x128xf32, #tpu.memory_space<hbm>>
      %dma_wait3A_680 = arith.constant 0 : i32
      %dma_wait3A_681 = arith.constant 0 : i32
      %dma_wait3A_682 = tpu.memref_slice %arg5[%dma_wait3A_669, %dma_wait3A_680, %dma_wait3A_681] : memref<4x128x128xf32, #tpu.memory_space<vmem>> -> memref<1x128x128xf32, #tpu.memory_space<vmem>>
      %dma_wait3A_683 = tpu.memref_squeeze %dma_wait3A_682 : memref<1x128x128xf32, #tpu.memory_space<vmem>> -> memref<128x128xf32, #tpu.memory_space<vmem>>
      tpu.wait_dma2 semaphore(%arg8 : memref<!tpu.dma_semaphore, #tpu.memory_space<semaphore_mem>>) src(%dma_wait3A_683 : memref<128x128xf32, #tpu.memory_space<vmem>>) dst(%dma_wait3A_679 : memref<128x128xf32, #tpu.memory_space<hbm>>)
      %broadcast_in_dim3A_684 = arith.constant 2 : i32
      %broadcast_in_dim3A_685 = vector.broadcast %broadcast_in_dim3A_684 : i32 to vector<16xi32>
      %scan3A_686 = arith.constant 0 : i32
      %scan3A_687 = arith.constant 0 : i32
      %scan3A_688 = arith.constant 8 : i32
      %scan3A_689 = arith.addi %scan3A_687, %scan3A_688 : i32
      %scan3A_690 = arith.constant 1 : i32
      scf.for %scan3A_761 = %scan3A_687 to %scan3A_689 step %scan3A_690  : i32 {
        %mul3A_762 = arith.constant 16 : i32
        %mul3A_763 = arith.muli %scan3A_761, %mul3A_762 : i32
        %get3A = arith.index_cast %scan3A_385 : i32 to index
        %get3A_764 = arith.index_cast %mul3A_763 : i32 to index
        %get3A_765 = tpu.vector_load %arg4[%get3A, %get3A_764] {strides = array<i32>} : memref<26x128xi32, #tpu.memory_space<vmem>>, vector<16xi32>,
        %ge3A = arith.constant 256 : i32
        %ge3A_766 = vector.broadcast %ge3A : i32 to vector<16xi32>
        %ge3A_767 = arith.cmpi sge, %get3A_765, %ge3A_766 : vector<16xi32>
        %lt3A = arith.constant 384 : i32
        %lt3A_768 = vector.broadcast %lt3A : i32 to vector<16xi32>
        %lt3A_769 = arith.cmpi slt, %get3A_765, %lt3A_768 : vector<16xi32>
        %and3A = arith.andi %ge3A_767, %lt3A_769 : vector<16xi1>
        %sub3A_770 = arith.constant 256 : i32
        %sub3A_771 = vector.broadcast %sub3A_770 : i32 to vector<16xi32>
        %sub3A_772 = arith.subi %get3A_765, %sub3A_771 : vector<16xi32>
        %mul3A_773 = arith.constant 16 : i32
        %mul3A_774 = arith.muli %scan3A_761, %mul3A_773 : i32
        %add3A_775 = vector.broadcast %mul3A_774 : i32 to vector<16xi32>
        %add3A_776 = arith.addi %add3A_775, %iota3A : vector<16xi32>
        tpu.vector_store_idx %arg5[%broadcast_in_dim3A_685, %sub3A_772, %add3A_776], %broadcast_in_dim3A_3 masked %and3A : memref<4x128x128xf32, #tpu.memory_space<vmem>>[vector<16xi32>, vector<16xi32>, vector<16xi32>], vector<16xf32>, vector<16xi1>
      }
      %scan3A_691 = arith.constant 8 : i32
      %broadcast_in_dim3A_692 = arith.constant 2 : i32
      %broadcast_in_dim3A_693 = vector.broadcast %broadcast_in_dim3A_692 : i32 to vector<16xi32>
      %scan3A_694 = arith.constant 0 : i32
      %scan3A_695 = arith.constant 0 : i32
      %scan3A_696 = arith.constant 8 : i32
      %scan3A_697 = arith.addi %scan3A_695, %scan3A_696 : i32
      %scan3A_698 = arith.constant 1 : i32
      scf.for %scan3A_761 = %scan3A_695 to %scan3A_697 step %scan3A_698  : i32 {
        %mul3A_762 = arith.constant 16 : i32
        %mul3A_763 = arith.muli %scan3A_761, %mul3A_762 : i32
        %get3A = arith.index_cast %scan3A_385 : i32 to index
        %get3A_764 = arith.index_cast %mul3A_763 : i32 to index
        %get3A_765 = tpu.vector_load %arg4[%get3A, %get3A_764] {strides = array<i32>} : memref<26x128xi32, #tpu.memory_space<vmem>>, vector<16xi32>,
        %ge3A = arith.constant 768 : i32
        %ge3A_766 = vector.broadcast %ge3A : i32 to vector<16xi32>
        %ge3A_767 = arith.cmpi sge, %get3A_765, %ge3A_766 : vector<16xi32>
        %lt3A = arith.constant 872 : i32
        %lt3A_768 = vector.broadcast %lt3A : i32 to vector<16xi32>
        %lt3A_769 = arith.cmpi slt, %get3A_765, %lt3A_768 : vector<16xi32>
        %and3A = arith.andi %ge3A_767, %lt3A_769 : vector<16xi1>
        %sub3A_770 = arith.constant 768 : i32
        %sub3A_771 = vector.broadcast %sub3A_770 : i32 to vector<16xi32>
        %sub3A_772 = arith.subi %get3A_765, %sub3A_771 : vector<16xi32>
        %mul3A_773 = arith.constant 16 : i32
        %mul3A_774 = arith.muli %scan3A_761, %mul3A_773 : i32
        %add3A_775 = vector.broadcast %mul3A_774 : i32 to vector<16xi32>
        %add3A_776 = arith.addi %add3A_775, %iota3A : vector<16xi32>
        tpu.vector_store_idx %arg5[%broadcast_in_dim3A_693, %sub3A_772, %add3A_776], %broadcast_in_dim3A_5 masked %and3A : memref<4x128x128xf32, #tpu.memory_space<vmem>>[vector<16xi32>, vector<16xi32>, vector<16xi32>], vector<16xf32>, vector<16xi1>
      }
      %scan3A_699 = arith.constant 8 : i32
      %dma_start3A_700 = arith.constant 2 : i32
      %dma_start3A_701 = arith.constant 0 : i32
      %dma_start3A_702 = arith.constant 0 : i32
      %dma_start3A_703 = tpu.memref_slice %arg5[%dma_start3A_700, %dma_start3A_701, %dma_start3A_702] : memref<4x128x128xf32, #tpu.memory_space<vmem>> -> memref<1x104x128xf32, #tpu.memory_space<vmem>>
      %dma_start3A_704 = tpu.memref_squeeze %dma_start3A_703 : memref<1x104x128xf32, #tpu.memory_space<vmem>> -> memref<104x128xf32, #tpu.memory_space<vmem>>
      %dma_start3A_705 = arith.constant 768 : i32
      %dma_start3A_706 = tpu.memref_slice %arg3[%scan3A_385, %dma_start3A_705, %mul3A_2] : memref<26x1000x4096xf32, #tpu.memory_space<hbm>> -> memref<1x104x128xf32, #tpu.memory_space<hbm>>
      %dma_start3A_707 = tpu.memref_squeeze %dma_start3A_706 : memref<1x104x128xf32, #tpu.memory_space<hbm>> -> memref<104x128xf32, #tpu.memory_space<hbm>>
      %dma_start3A_708 = arith.constant 768 : i32
      %dma_start3A_709 = tpu.memref_slice %arg3[%scan3A_385, %dma_start3A_708, %mul3A_2] : memref<26x1000x4096xf32, #tpu.memory_space<hbm>> -> memref<1x104x128xf32, #tpu.memory_space<hbm>>
      %dma_start3A_710 = tpu.memref_squeeze %dma_start3A_709 : memref<1x104x128xf32, #tpu.memory_space<hbm>> -> memref<104x128xf32, #tpu.memory_space<hbm>>
      %dma_start3A_711 = arith.constant 0 : i32
      %dma_start3A_712 = arith.constant 0 : i32
      %dma_start3A_713 = tpu.memref_slice %arg5[%dma_start3A_700, %dma_start3A_711, %dma_start3A_712] : memref<4x128x128xf32, #tpu.memory_space<vmem>> -> memref<1x104x128xf32, #tpu.memory_space<vmem>>
      %dma_start3A_714 = tpu.memref_squeeze %dma_start3A_713 : memref<1x104x128xf32, #tpu.memory_space<vmem>> -> memref<104x128xf32, #tpu.memory_space<vmem>>
      tpu.enqueue_dma source(%dma_start3A_714 : memref<104x128xf32, #tpu.memory_space<vmem>>) target(%dma_start3A_710 : memref<104x128xf32, #tpu.memory_space<hbm>>) target_semaphore(%arg8 : memref<!tpu.dma_semaphore, #tpu.memory_space<semaphore_mem>>)
      %dma_wait3A_715 = arith.constant 3 : i32
      %dma_wait3A_716 = arith.constant 0 : i32
      %dma_wait3A_717 = arith.constant 0 : i32
      %dma_wait3A_718 = tpu.memref_slice %arg5[%dma_wait3A_715, %dma_wait3A_716, %dma_wait3A_717] : memref<4x128x128xf32, #tpu.memory_space<vmem>> -> memref<1x128x128xf32, #tpu.memory_space<vmem>>
      %dma_wait3A_719 = tpu.memref_squeeze %dma_wait3A_718 : memref<1x128x128xf32, #tpu.memory_space<vmem>> -> memref<128x128xf32, #tpu.memory_space<vmem>>
      %dma_wait3A_720 = arith.constant 384 : i32
      %dma_wait3A_721 = tpu.memref_slice %arg3[%scan3A_385, %dma_wait3A_720, %mul3A_2] : memref<26x1000x4096xf32, #tpu.memory_space<hbm>> -> memref<1x128x128xf32, #tpu.memory_space<hbm>>
      %dma_wait3A_722 = tpu.memref_squeeze %dma_wait3A_721 : memref<1x128x128xf32, #tpu.memory_space<hbm>> -> memref<128x128xf32, #tpu.memory_space<hbm>>
      %dma_wait3A_723 = arith.constant 384 : i32
      %dma_wait3A_724 = tpu.memref_slice %arg3[%scan3A_385, %dma_wait3A_723, %mul3A_2] : memref<26x1000x4096xf32, #tpu.memory_space<hbm>> -> memref<1x128x128xf32, #tpu.memory_space<hbm>>
      %dma_wait3A_725 = tpu.memref_squeeze %dma_wait3A_724 : memref<1x128x128xf32, #tpu.memory_space<hbm>> -> memref<128x128xf32, #tpu.memory_space<hbm>>
      %dma_wait3A_726 = arith.constant 0 : i32
      %dma_wait3A_727 = arith.constant 0 : i32
      %dma_wait3A_728 = tpu.memref_slice %arg5[%dma_wait3A_715, %dma_wait3A_726, %dma_wait3A_727] : memref<4x128x128xf32, #tpu.memory_space<vmem>> -> memref<1x128x128xf32, #tpu.memory_space<vmem>>
      %dma_wait3A_729 = tpu.memref_squeeze %dma_wait3A_728 : memref<1x128x128xf32, #tpu.memory_space<vmem>> -> memref<128x128xf32, #tpu.memory_space<vmem>>
      tpu.wait_dma2 semaphore(%arg9 : memref<!tpu.dma_semaphore, #tpu.memory_space<semaphore_mem>>) src(%dma_wait3A_729 : memref<128x128xf32, #tpu.memory_space<vmem>>) dst(%dma_wait3A_725 : memref<128x128xf32, #tpu.memory_space<hbm>>)
      %broadcast_in_dim3A_730 = arith.constant 3 : i32
      %broadcast_in_dim3A_731 = vector.broadcast %broadcast_in_dim3A_730 : i32 to vector<16xi32>
      %scan3A_732 = arith.constant 0 : i32
      %scan3A_733 = arith.constant 0 : i32
      %scan3A_734 = arith.constant 8 : i32
      %scan3A_735 = arith.addi %scan3A_733, %scan3A_734 : i32
      %scan3A_736 = arith.constant 1 : i32
      scf.for %scan3A_761 = %scan3A_733 to %scan3A_735 step %scan3A_736  : i32 {
        %mul3A_762 = arith.constant 16 : i32
        %mul3A_763 = arith.muli %scan3A_761, %mul3A_762 : i32
        %get3A = arith.index_cast %scan3A_385 : i32 to index
        %get3A_764 = arith.index_cast %mul3A_763 : i32 to index
        %get3A_765 = tpu.vector_load %arg4[%get3A, %get3A_764] {strides = array<i32>} : memref<26x128xi32, #tpu.memory_space<vmem>>, vector<16xi32>,
        %ge3A = arith.constant 384 : i32
        %ge3A_766 = vector.broadcast %ge3A : i32 to vector<16xi32>
        %ge3A_767 = arith.cmpi sge, %get3A_765, %ge3A_766 : vector<16xi32>
        %lt3A = arith.constant 512 : i32
        %lt3A_768 = vector.broadcast %lt3A : i32 to vector<16xi32>
        %lt3A_769 = arith.cmpi slt, %get3A_765, %lt3A_768 : vector<16xi32>
        %and3A = arith.andi %ge3A_767, %lt3A_769 : vector<16xi1>
        %sub3A_770 = arith.constant 384 : i32
        %sub3A_771 = vector.broadcast %sub3A_770 : i32 to vector<16xi32>
        %sub3A_772 = arith.subi %get3A_765, %sub3A_771 : vector<16xi32>
        %mul3A_773 = arith.constant 16 : i32
        %mul3A_774 = arith.muli %scan3A_761, %mul3A_773 : i32
        %add3A_775 = vector.broadcast %mul3A_774 : i32 to vector<16xi32>
        %add3A_776 = arith.addi %add3A_775, %iota3A : vector<16xi32>
        tpu.vector_store_idx %arg5[%broadcast_in_dim3A_731, %sub3A_772, %add3A_776], %broadcast_in_dim3A_3 masked %and3A : memref<4x128x128xf32, #tpu.memory_space<vmem>>[vector<16xi32>, vector<16xi32>, vector<16xi32>], vector<16xf32>, vector<16xi1>
      }
      %scan3A_737 = arith.constant 8 : i32
      %broadcast_in_dim3A_738 = arith.constant 3 : i32
      %broadcast_in_dim3A_739 = vector.broadcast %broadcast_in_dim3A_738 : i32 to vector<16xi32>
      %scan3A_740 = arith.constant 0 : i32
      %scan3A_741 = arith.constant 0 : i32
      %scan3A_742 = arith.constant 8 : i32
      %scan3A_743 = arith.addi %scan3A_741, %scan3A_742 : i32
      %scan3A_744 = arith.constant 1 : i32
      scf.for %scan3A_761 = %scan3A_741 to %scan3A_743 step %scan3A_744  : i32 {
        %mul3A_762 = arith.constant 16 : i32
        %mul3A_763 = arith.muli %scan3A_761, %mul3A_762 : i32
        %get3A = arith.index_cast %scan3A_385 : i32 to index
        %get3A_764 = arith.index_cast %mul3A_763 : i32 to index
        %get3A_765 = tpu.vector_load %arg4[%get3A, %get3A_764] {strides = array<i32>} : memref<26x128xi32, #tpu.memory_space<vmem>>, vector<16xi32>,
        %ge3A = arith.constant 872 : i32
        %ge3A_766 = vector.broadcast %ge3A : i32 to vector<16xi32>
        %ge3A_767 = arith.cmpi sge, %get3A_765, %ge3A_766 : vector<16xi32>
        %lt3A = arith.constant 1000 : i32
        %lt3A_768 = vector.broadcast %lt3A : i32 to vector<16xi32>
        %lt3A_769 = arith.cmpi slt, %get3A_765, %lt3A_768 : vector<16xi32>
        %and3A = arith.andi %ge3A_767, %lt3A_769 : vector<16xi1>
        %sub3A_770 = arith.constant 872 : i32
        %sub3A_771 = vector.broadcast %sub3A_770 : i32 to vector<16xi32>
        %sub3A_772 = arith.subi %get3A_765, %sub3A_771 : vector<16xi32>
        %mul3A_773 = arith.constant 16 : i32
        %mul3A_774 = arith.muli %scan3A_761, %mul3A_773 : i32
        %add3A_775 = vector.broadcast %mul3A_774 : i32 to vector<16xi32>
        %add3A_776 = arith.addi %add3A_775, %iota3A : vector<16xi32>
        tpu.vector_store_idx %arg5[%broadcast_in_dim3A_739, %sub3A_772, %add3A_776], %broadcast_in_dim3A_5 masked %and3A : memref<4x128x128xf32, #tpu.memory_space<vmem>>[vector<16xi32>, vector<16xi32>, vector<16xi32>], vector<16xf32>, vector<16xi1>
      }
      %scan3A_745 = arith.constant 8 : i32
      %dma_start3A_746 = arith.constant 3 : i32
      %dma_start3A_747 = arith.constant 0 : i32
      %dma_start3A_748 = arith.constant 0 : i32
      %dma_start3A_749 = tpu.memref_slice %arg5[%dma_start3A_746, %dma_start3A_747, %dma_start3A_748] : memref<4x128x128xf32, #tpu.memory_space<vmem>> -> memref<1x128x128xf32, #tpu.memory_space<vmem>>
      %dma_start3A_750 = tpu.memref_squeeze %dma_start3A_749 : memref<1x128x128xf32, #tpu.memory_space<vmem>> -> memref<128x128xf32, #tpu.memory_space<vmem>>
      %dma_start3A_751 = arith.constant 872 : i32
      %dma_start3A_752 = tpu.memref_slice %arg3[%scan3A_385, %dma_start3A_751, %mul3A_2] : memref<26x1000x4096xf32, #tpu.memory_space<hbm>> -> memref<1x128x128xf32, #tpu.memory_space<hbm>>
      %dma_start3A_753 = tpu.memref_squeeze %dma_start3A_752 : memref<1x128x128xf32, #tpu.memory_space<hbm>> -> memref<128x128xf32, #tpu.memory_space<hbm>>
      %dma_start3A_754 = arith.constant 872 : i32
      %dma_start3A_755 = tpu.memref_slice %arg3[%scan3A_385, %dma_start3A_754, %mul3A_2] : memref<26x1000x4096xf32, #tpu.memory_space<hbm>> -> memref<1x128x128xf32, #tpu.memory_space<hbm>>
      %dma_start3A_756 = tpu.memref_squeeze %dma_start3A_755 : memref<1x128x128xf32, #tpu.memory_space<hbm>> -> memref<128x128xf32, #tpu.memory_space<hbm>>
      %dma_start3A_757 = arith.constant 0 : i32
      %dma_start3A_758 = arith.constant 0 : i32
      %dma_start3A_759 = tpu.memref_slice %arg5[%dma_start3A_746, %dma_start3A_757, %dma_start3A_758] : memref<4x128x128xf32, #tpu.memory_space<vmem>> -> memref<1x128x128xf32, #tpu.memory_space<vmem>>
      %dma_start3A_760 = tpu.memref_squeeze %dma_start3A_759 : memref<1x128x128xf32, #tpu.memory_space<vmem>> -> memref<128x128xf32, #tpu.memory_space<vmem>>
      tpu.enqueue_dma source(%dma_start3A_760 : memref<128x128xf32, #tpu.memory_space<vmem>>) target(%dma_start3A_756 : memref<128x128xf32, #tpu.memory_space<hbm>>) target_semaphore(%arg9 : memref<!tpu.dma_semaphore, #tpu.memory_space<semaphore_mem>>)
    }
    %scan3A_320 = arith.constant 25 : i32
    %dma_wait3A_321 = arith.constant 0 : i32
    %dma_wait3A_322 = arith.constant 25 : i32
    %dma_wait3A_323 = arith.constant 0 : i32
    %dma_wait3A_324 = arith.constant 0 : i32
    %dma_wait3A_325 = tpu.memref_slice %arg5[%dma_wait3A_321, %dma_wait3A_323, %dma_wait3A_324] : memref<4x128x128xf32, #tpu.memory_space<vmem>> -> memref<1x128x128xf32, #tpu.memory_space<vmem>>
    %dma_wait3A_326 = tpu.memref_squeeze %dma_wait3A_325 : memref<1x128x128xf32, #tpu.memory_space<vmem>> -> memref<128x128xf32, #tpu.memory_space<vmem>>
    %dma_wait3A_327 = arith.constant 512 : i32
    %dma_wait3A_328 = tpu.memref_slice %arg3[%dma_wait3A_322, %dma_wait3A_327, %mul3A_2] : memref<26x1000x4096xf32, #tpu.memory_space<hbm>> -> memref<1x128x128xf32, #tpu.memory_space<hbm>>
    %dma_wait3A_329 = tpu.memref_squeeze %dma_wait3A_328 : memref<1x128x128xf32, #tpu.memory_space<hbm>> -> memref<128x128xf32, #tpu.memory_space<hbm>>
    %dma_wait3A_330 = arith.constant 512 : i32
    %dma_wait3A_331 = tpu.memref_slice %arg3[%dma_wait3A_322, %dma_wait3A_330, %mul3A_2] : memref<26x1000x4096xf32, #tpu.memory_space<hbm>> -> memref<1x128x128xf32, #tpu.memory_space<hbm>>
    %dma_wait3A_332 = tpu.memref_squeeze %dma_wait3A_331 : memref<1x128x128xf32, #tpu.memory_space<hbm>> -> memref<128x128xf32, #tpu.memory_space<hbm>>
    %dma_wait3A_333 = arith.constant 0 : i32
    %dma_wait3A_334 = arith.constant 0 : i32
    %dma_wait3A_335 = tpu.memref_slice %arg5[%dma_wait3A_321, %dma_wait3A_333, %dma_wait3A_334] : memref<4x128x128xf32, #tpu.memory_space<vmem>> -> memref<1x128x128xf32, #tpu.memory_space<vmem>>
    %dma_wait3A_336 = tpu.memref_squeeze %dma_wait3A_335 : memref<1x128x128xf32, #tpu.memory_space<vmem>> -> memref<128x128xf32, #tpu.memory_space<vmem>>
    tpu.wait_dma2 semaphore(%arg6 : memref<!tpu.dma_semaphore, #tpu.memory_space<semaphore_mem>>) src(%dma_wait3A_336 : memref<128x128xf32, #tpu.memory_space<vmem>>) dst(%dma_wait3A_332 : memref<128x128xf32, #tpu.memory_space<hbm>>)
    %dma_wait3A_337 = arith.constant 1 : i32
    %dma_wait3A_338 = arith.constant 25 : i32
    %dma_wait3A_339 = arith.constant 0 : i32
    %dma_wait3A_340 = arith.constant 0 : i32
    %dma_wait3A_341 = tpu.memref_slice %arg5[%dma_wait3A_337, %dma_wait3A_339, %dma_wait3A_340] : memref<4x128x128xf32, #tpu.memory_space<vmem>> -> memref<1x128x128xf32, #tpu.memory_space<vmem>>
    %dma_wait3A_342 = tpu.memref_squeeze %dma_wait3A_341 : memref<1x128x128xf32, #tpu.memory_space<vmem>> -> memref<128x128xf32, #tpu.memory_space<vmem>>
    %dma_wait3A_343 = arith.constant 640 : i32
    %dma_wait3A_344 = tpu.memref_slice %arg3[%dma_wait3A_338, %dma_wait3A_343, %mul3A_2] : memref<26x1000x4096xf32, #tpu.memory_space<hbm>> -> memref<1x128x128xf32, #tpu.memory_space<hbm>>
    %dma_wait3A_345 = tpu.memref_squeeze %dma_wait3A_344 : memref<1x128x128xf32, #tpu.memory_space<hbm>> -> memref<128x128xf32, #tpu.memory_space<hbm>>
    %dma_wait3A_346 = arith.constant 640 : i32
    %dma_wait3A_347 = tpu.memref_slice %arg3[%dma_wait3A_338, %dma_wait3A_346, %mul3A_2] : memref<26x1000x4096xf32, #tpu.memory_space<hbm>> -> memref<1x128x128xf32, #tpu.memory_space<hbm>>
    %dma_wait3A_348 = tpu.memref_squeeze %dma_wait3A_347 : memref<1x128x128xf32, #tpu.memory_space<hbm>> -> memref<128x128xf32, #tpu.memory_space<hbm>>
    %dma_wait3A_349 = arith.constant 0 : i32
    %dma_wait3A_350 = arith.constant 0 : i32
    %dma_wait3A_351 = tpu.memref_slice %arg5[%dma_wait3A_337, %dma_wait3A_349, %dma_wait3A_350] : memref<4x128x128xf32, #tpu.memory_space<vmem>> -> memref<1x128x128xf32, #tpu.memory_space<vmem>>
    %dma_wait3A_352 = tpu.memref_squeeze %dma_wait3A_351 : memref<1x128x128xf32, #tpu.memory_space<vmem>> -> memref<128x128xf32, #tpu.memory_space<vmem>>
    tpu.wait_dma2 semaphore(%arg7 : memref<!tpu.dma_semaphore, #tpu.memory_space<semaphore_mem>>) src(%dma_wait3A_352 : memref<128x128xf32, #tpu.memory_space<vmem>>) dst(%dma_wait3A_348 : memref<128x128xf32, #tpu.memory_space<hbm>>)
    %dma_wait3A_353 = arith.constant 2 : i32
    %dma_wait3A_354 = arith.constant 25 : i32
    %dma_wait3A_355 = arith.constant 0 : i32
    %dma_wait3A_356 = arith.constant 0 : i32
    %dma_wait3A_357 = tpu.memref_slice %arg5[%dma_wait3A_353, %dma_wait3A_355, %dma_wait3A_356] : memref<4x128x128xf32, #tpu.memory_space<vmem>> -> memref<1x104x128xf32, #tpu.memory_space<vmem>>
    %dma_wait3A_358 = tpu.memref_squeeze %dma_wait3A_357 : memref<1x104x128xf32, #tpu.memory_space<vmem>> -> memref<104x128xf32, #tpu.memory_space<vmem>>
    %dma_wait3A_359 = arith.constant 768 : i32
    %dma_wait3A_360 = tpu.memref_slice %arg3[%dma_wait3A_354, %dma_wait3A_359, %mul3A_2] : memref<26x1000x4096xf32, #tpu.memory_space<hbm>> -> memref<1x104x128xf32, #tpu.memory_space<hbm>>
    %dma_wait3A_361 = tpu.memref_squeeze %dma_wait3A_360 : memref<1x104x128xf32, #tpu.memory_space<hbm>> -> memref<104x128xf32, #tpu.memory_space<hbm>>
    %dma_wait3A_362 = arith.constant 768 : i32
    %dma_wait3A_363 = tpu.memref_slice %arg3[%dma_wait3A_354, %dma_wait3A_362, %mul3A_2] : memref<26x1000x4096xf32, #tpu.memory_space<hbm>> -> memref<1x104x128xf32, #tpu.memory_space<hbm>>
    %dma_wait3A_364 = tpu.memref_squeeze %dma_wait3A_363 : memref<1x104x128xf32, #tpu.memory_space<hbm>> -> memref<104x128xf32, #tpu.memory_space<hbm>>
    %dma_wait3A_365 = arith.constant 0 : i32
    %dma_wait3A_366 = arith.constant 0 : i32
    %dma_wait3A_367 = tpu.memref_slice %arg5[%dma_wait3A_353, %dma_wait3A_365, %dma_wait3A_366] : memref<4x128x128xf32, #tpu.memory_space<vmem>> -> memref<1x104x128xf32, #tpu.memory_space<vmem>>
    %dma_wait3A_368 = tpu.memref_squeeze %dma_wait3A_367 : memref<1x104x128xf32, #tpu.memory_space<vmem>> -> memref<104x128xf32, #tpu.memory_space<vmem>>
    tpu.wait_dma2 semaphore(%arg8 : memref<!tpu.dma_semaphore, #tpu.memory_space<semaphore_mem>>) src(%dma_wait3A_368 : memref<104x128xf32, #tpu.memory_space<vmem>>) dst(%dma_wait3A_364 : memref<104x128xf32, #tpu.memory_space<hbm>>)
    %dma_wait3A_369 = arith.constant 3 : i32
    %dma_wait3A_370 = arith.constant 25 : i32
    %dma_wait3A_371 = arith.constant 0 : i32
    %dma_wait3A_372 = arith.constant 0 : i32
    %dma_wait3A_373 = tpu.memref_slice %arg5[%dma_wait3A_369, %dma_wait3A_371, %dma_wait3A_372] : memref<4x128x128xf32, #tpu.memory_space<vmem>> -> memref<1x128x128xf32, #tpu.memory_space<vmem>>
    %dma_wait3A_374 = tpu.memref_squeeze %dma_wait3A_373 : memref<1x128x128xf32, #tpu.memory_space<vmem>> -> memref<128x128xf32, #tpu.memory_space<vmem>>
    %dma_wait3A_375 = arith.constant 872 : i32
    %dma_wait3A_376 = tpu.memref_slice %arg3[%dma_wait3A_370, %dma_wait3A_375, %mul3A_2] : memref<26x1000x4096xf32, #tpu.memory_space<hbm>> -> memref<1x128x128xf32, #tpu.memory_space<hbm>>
    %dma_wait3A_377 = tpu.memref_squeeze %dma_wait3A_376 : memref<1x128x128xf32, #tpu.memory_space<hbm>> -> memref<128x128xf32, #tpu.memory_space<hbm>>
    %dma_wait3A_378 = arith.constant 872 : i32
    %dma_wait3A_379 = tpu.memref_slice %arg3[%dma_wait3A_370, %dma_wait3A_378, %mul3A_2] : memref<26x1000x4096xf32, #tpu.memory_space<hbm>> -> memref<1x128x128xf32, #tpu.memory_space<hbm>>
    %dma_wait3A_380 = tpu.memref_squeeze %dma_wait3A_379 : memref<1x128x128xf32, #tpu.memory_space<hbm>> -> memref<128x128xf32, #tpu.memory_space<hbm>>
    %dma_wait3A_381 = arith.constant 0 : i32
    %dma_wait3A_382 = arith.constant 0 : i32
    %dma_wait3A_383 = tpu.memref_slice %arg5[%dma_wait3A_369, %dma_wait3A_381, %dma_wait3A_382] : memref<4x128x128xf32, #tpu.memory_space<vmem>> -> memref<1x128x128xf32, #tpu.memory_space<vmem>>
    %dma_wait3A_384 = tpu.memref_squeeze %dma_wait3A_383 : memref<1x128x128xf32, #tpu.memory_space<vmem>> -> memref<128x128xf32, #tpu.memory_space<vmem>>
    tpu.wait_dma2 semaphore(%arg9 : memref<!tpu.dma_semaphore, #tpu.memory_space<semaphore_mem>>) src(%dma_wait3A_384 : memref<128x128xf32, #tpu.memory_space<vmem>>) dst(%dma_wait3A_380 : memref<128x128xf32, #tpu.memory_space<hbm>>)
    return
  }
}

</mosaic_0001>

<sc_bundles>
// kernel: kernel.3.cloned.1.call-start
scs
__scs_entry_jumppad:
0x0: {  	(pc) =	sbr.rel $0x88, $3  }
0x1: {  	(tag) =	ssettag $0x0;
	lr =	simm.s32 $0x1  }
0x2: {  	[smem:$0x3FA0] =	sst lr;
	_ =	strace $0xD0000000  }
0x3: {  	_ = 	snop  }
0x4: {  	_ = 	snop  }
0x5: {  	_ = 	snop  }
0x6: {  	_ = 	snop  }
0x7: {  	_ = 	snop  }
__scs_overlays_trampoline_lowered:
0x8: {  	[smem:$0x3FAF] =	sst s0  }
0x9: {  	[smem:$0x3FB0] =	sst s1  }
0xa: {  	[smem:$0x3FB1] =	sst s2  }
0xb: {  	[smem:$0x3FB2] =	sst s3  }
0xc: {  	[smem:$0x3FB3] =	sst s4  }
0xd: {  	[smem:$0x3FB4] =	sst s5  }
0xe: {  	[smem:$0x3FB5] =	sst s6  }
0xf: {  	[smem:$0x3FB6] =	sst s7  }
0x10: {  	[smem:$0x3FB7] =	sst s8  }
0x11: {  	[smem:$0x3FB8] =	sst s9;
	s0 =	simm.s32 @!p0 $0x0  }
0x12: {  	s1 =	sld [smem:$0x3F9E];
	s0 =	simm.s32 @p0 $0x1  }
0x13: {  	[smem:$0x3FB9] =	sst s0;
	s0 =	simm.s32 @!p1 $0x0  }
0x14: {  	s2 =	sld [smem:$0x3F9D];
	s0 =	simm.s32 @p1 $0x1  }
0x15: {  	[smem:$0x3FBA] =	sst s0;
	s0 =	simm.s32 @!p2 $0x0  }
0x16: {  	s3 =	sld [smem:$0x3FDB];
	s0 =	simm.s32 @p2 $0x1  }
0x17: {  	s4 =	simm.s32 $0x1BF5;
	[smem:$0x3FBC] =	sst s0  }
0x18: {  	s0 =	sld [smem:$0x3F9F];
	_ =	swait.ge [sflag:s4], $0x0  }
0x19: {  	s7 =	sld [smem:$0x3FA0]  }
0x1a: {  	s8 =	sadd.s32 $0xFFFFE003, lr  }
0x1b: {  	s9 =	sadd.s32 $0xFFFFFEF7, lr;
	s5 =	simm.s32 $0xFFFFFFFF;
	p2 =	slt.u32 s8, $0xFFFFF086  }
0x1c: {  	p1 =	slt.u32 s9, $0xF7A;
	s5 =	simm.s32 @!p2 $0x0  }
0x1d: {  	s5 =	simm.s32 @p1 $0x1;
	p0 =	seq.s32 s7, s2  }
0x1e: {  	s7 =	smul.u32 @!p0 $0xF7A, s2;
	p2 =	seq.s32 @!p0 s5, $0x0  }
0x1f: {  	s9 =	smul.u32 $0xF7A, s1;
	s8 =	simm.s32 @!p0 $0x1BF5;
	p2 =	por !p2, p0  }
0x20: {  	[sflag:s8] =	ssyncset.s32 @!p0 $0xFFFFF086;
	s6 =	sadd.s32 @!p0 s3, s7;
	s7 =	simm.s32 @!p0 $0x108  }
0x21: {  	s3 =	sadd.s32 s3, s9;
	s6 =	sadd.s32 @!p0 $0x88, s6;
	s7 =	simm.s32 @p2 $0x1082  }
0x22: {  	[simem:s7], [sflag:s8] =	dma.local @!p0 [hbm:s6], $0xF7A  }
0x23: {  	s9 =	sor.u32 $0xD0000000, s2;
	s6 =	simm.s32 $0x108;
	_ =	swait.ge @!p0 [sflag:s8], $0x0  }
0x24: {  	s3 =	sadd.s32 $0x88, s3;
	s6 =	simm.s32 @!p1 $0x1082;
	[sflag:s4] =	ssyncset.s32 $0xFFFFF086  }
0x25: {  	[simem:s6], [sflag:s4] =	dma.local [hbm:s3], $0xF7A  }
0x26: {  	[smem:$0x3FA0] =	sst s1;
	(tag) =	ssettag s2;
	_ =	strace s9  }
0x27: {  	s1 =	sld [smem:$0x3FB0]  }
0x28: {  	s2 =	sld [smem:$0x3FB1]  }
0x29: {  	s4 =	sld [smem:$0x3FB3]  }
0x2a: {  	p0 =	seq.s32 s5, $0x0;
	s5 =	sld [smem:$0x3FB4]  }
0x2b: {  	s6 =	sld [smem:$0x3FB5]  }
0x2c: {  	s7 =	sld [smem:$0x3FB6]  }
0x2d: {  	s3 =	simm.s32 $0x108;
	s8 =	sld [smem:$0x3FB7]  }
0x2e: {  	s3 =	simm.s32 @!p0 $0x1082;
	s9 =	sld [smem:$0x3FB8]  }
0x2f: {  	lr =	sadd.s32 s0, s3;
	s0 =	sld [smem:$0x3FAF]  }
0x30: {  	s3 =	sld [smem:$0x3FB2]  }
0x31: {  	[smem:$0x3FBB] =	sst s10  }
0x32: {  	s10 =	sld [smem:$0x3FB9];
	_ =	sdelay $0x3  }
0x33: {  	p0 =	seq.s32 s10, $0x1;
	s10 =	sld [smem:$0x3FBB];
	_ =	sdelay $0x3  }
0x34: {  	[smem:$0x3FBB] =	sst s10  }
0x35: {  	s10 =	sld [smem:$0x3FBA];
	_ =	sdelay $0x3  }
0x36: {  	p1 =	seq.s32 s10, $0x1;
	s10 =	sld [smem:$0x3FBB];
	_ =	sdelay $0x3  }
0x37: {  	[smem:$0x3FBB] =	sst s10  }
0x38: {  	s10 =	sld [smem:$0x3FBC]  }
0x39: {  	_ = 	snop;
	(pc) =	sbr.ind lr, $3  }
0x3a: {  	_ = 	snop  }
0x3b: {  	_ = 	snop  }
0x3c: {  	p2 =	seq.s32 s10, $0x1;
	s10 =	sld [smem:$0x3FBB]  }
0x3d: {  	_ =	shalt  }
0x3e: {  	_ =	shalt  }
0x3f: {  	_ =	shalt  }
0x40: {  	_ =	shalt  }
0x41: {  	_ =	shalt  }
0x42: {  	_ =	shalt  }
0x43: {  	_ =	shalt  }
0x44: {  	_ =	shalt  }
0x45: {  	_ =	shalt  }
0x46: {  	_ =	shalt  }
0x47: {  	_ =	shalt  }
0x48: {  	_ =	shalt  }
0x49: {  	_ =	shalt  }
0x4a: {  	_ =	shalt  }
0x4b: {  	_ =	shalt  }
0x4c: {  	_ =	shalt  }
0x4d: {  	_ =	shalt  }
0x4e: {  	_ =	shalt  }
0x4f: {  	_ =	shalt  }
0x50: {  	_ =	shalt  }
0x51: {  	_ =	shalt  }
0x52: {  	_ =	shalt  }
0x53: {  	_ =	shalt  }
0x54: {  	_ =	shalt  }
0x55: {  	_ =	shalt  }
0x56: {  	_ =	shalt  }
0x57: {  	_ =	shalt  }
0x58: {  	_ =	shalt  }
0x59: {  	_ =	shalt  }
0x5a: {  	_ =	shalt  }
0x5b: {  	_ =	shalt  }
0x5c: {  	_ =	shalt  }
0x5d: {  	_ =	shalt  }
0x5e: {  	_ =	shalt  }
0x5f: {  	_ =	shalt  }
0x60: {  	_ =	shalt  }
0x61: {  	_ =	shalt  }
0x62: {  	_ =	shalt  }
0x63: {  	_ =	shalt  }
0x64: {  	_ =	shalt  }
0x65: {  	_ =	shalt  }
0x66: {  	_ =	shalt  }
0x67: {  	_ =	shalt  }
0x68: {  	_ =	shalt  }
0x69: {  	_ =	shalt  }
0x6a: {  	_ =	shalt  }
0x6b: {  	_ =	shalt  }
0x6c: {  	_ =	shalt  }
0x6d: {  	_ =	shalt  }
0x6e: {  	_ =	shalt  }
0x6f: {  	_ =	shalt  }
0x70: {  	_ =	shalt  }
0x71: {  	_ =	shalt  }
0x72: {  	_ =	shalt  }
0x73: {  	_ =	shalt  }
0x74: {  	_ =	shalt  }
0x75: {  	_ =	shalt  }
0x76: {  	_ =	shalt  }
0x77: {  	_ =	shalt  }
0x78: {  	_ =	shalt  }
0x79: {  	_ =	shalt  }
0x7a: {  	_ =	shalt  }
0x7b: {  	_ =	shalt  }
0x7c: {  	_ =	shalt  }
0x7d: {  	_ =	shalt  }
0x7e: {  	_ =	shalt  }
0x7f: {  	_ =	shalt  }
0x80: {  	_ =	shalt  }
0x81: {  	_ =	shalt  }
0x82: {  	_ =	shalt  }
0x83: {  	_ =	shalt  }
0x84: {  	_ =	shalt  }
0x85: {  	_ =	shalt  }
0x86: {  	_ =	shalt  }
0x87: {  	_ =	shalt  }
.Lfunc_end0:
.L_simem_size_0:
called_computation_lowered:
.L_overlay_start_0:
0x88: {  	s2 =	sld [smem:$0x3FD9]  }
0x89: {  	s3 =	sld [smem:$0x3FFE];
	_ =	sdelay $0x1  }
0x8a: {  	s1 =	srdreg.scid  }
0x8b: {  	s0 =	sand.u32 $0x1, s1  }
0x8c: {  	s18 =	sshll.u32 s0, $0xA;
	s2 =	sadd.s32 s3, s2  }
0x8d: {  	s2 =	sadd.s32 s2, s18  }
0x8e: {  	[smem:$0x3FC7] =	sst s2  }
0x8f: {  	_ = 	snop  }
0x90: {  	s2 =	sld [smem:$0x3FC9]  }
0x91: {  	s19 =	sld [smem:$0x3FD0];
	(tm) =	ssettm $0x1  }
0x92: {  	s4 =	sld [smem:$0x3FFB];
	_ =	sdelay $0x3  }
0x93: {  	_ =	strace s4  }
0x94: {  	s4 =	sld [smem:$0x3FFC];
	_ =	sdelay $0x3  }
0x95: {  	_ =	strace s4  }
0x96: {  	s4 =	sld [smem:$0x3FFD];
	_ =	sdelay $0x3  }
0x97: {  	_ =	strace s4  }
0x98: {  	_ =	strace $0x8FFFFFFF  }
0x99: {  	s20 =	sld [smem:$0x3FDB];
	_ =	sdelay $0x1  }
0x9a: {  	s5 =	simm.s32 $_scs_section_size  }
0x9b: {  	s6 =	simm.s32 $_size__tile_overlayer_lowered;
	s7 =	simm.s32 $_tile_overlayer_lowered  }
0x9c: {  	s23 =	simm.s32 $0x1BFF;
	s22 =	sshll.u32 s7, $0x1;
	s4 =	sadd.s32 s5, s20  }
0x9d: {  	s8 =	simm.s32 $0x0;
	s21 =	sshll.u32 s6, $0x1;
	s6 =	sadd.s32 s22, s4  }
0x9e: {  	[timem:s8], [sflag:s23] =	dma.local [hbm:s6], s21  }
0x9f: {  	_ =	swait.ge [sflag:s23], s21  }
0xa0: {  	s5 =	ssub.s32 $0x0, s21;
	[sflag:s23] =	ssyncset.done $0x0  }
0xa1: {  	[sflag:s23] =	ssyncadd.s32 s5;
	_ =	sdelay $0x1  }
0xa2: {  	s24 =	simm.s32 $0x1B8B  }
0xa3: {  	_ =	swait.ge [sflag:s24], $0x1  }
0xa4: {  	[sflag:s24] =	ssyncset.done $0x0  }
0xa5: {  	s25 =	simm.s32 $0x1B8E;
	[sflag:s24] =	ssyncadd.s32 $0xFFFFFFFF  }
0xa6: {  	s26 =	simm.s32 $execute0_lowered;
	[smem:$0x3FD2] =	sst s25  }
0xa7: {  	s5 =	sshll.u32 s26, $0x1;
	_ =	strace $0x80000046;
	[dreg:$0x1] =	wrdreg $0xFFFFFFFF  }
0xa8: {  	s28 =	simm.s32 $_size_execute0_lowered;
	s4 =	sadd.s32 s4, s5;
	[dreg:$0x0] =	wrdreg $0x0  }
0xa9: {  	s5 =	sshll.u32 s28, $0x1;
	[dreg:$0x2] =	wrdreg s4  }
0xaa: {  	[dreg:$0x3] =	wrdreg s5  }
0xab: {  	[dreg:$0x4] =	wrdreg $0xC0  }
0xac: {  	_ =	task [dreg:s8], $0x5FFFF  }
0xad: {  	[dreg:$0x1] =	wrdreg $0xFFFFFFFF  }
0xae: {  	[dreg:$0x0] =	wrdreg $0x60  }
0xaf: {  	[dreg:$0x2] =	wrdreg s2  }
0xb0: {  	[dreg:$0x3] =	wrdreg s19  }
0xb1: {  	[dreg:$0x4] =	wrdreg $0x9  }
0xb2: {  	_ =	task.clear_ibuf [dreg:s8], $0x5FFFF;
	_ =	strace $0x90000046  }
0xb3: {  	s29 =	simm.s32 $0x9;
	_ =	strace $0x80000048  }
0xb4: {  	_ =	swait.ge [sflag:s29], $0x1  }
0xb5: {  	[sflag:s29] =	ssyncadd.s32 $0xFFFFFFFF  }
0xb6: {  	_ =	strace $0x90000048  }
0xb7: {  	_ =	sfence  }
0xb8: {  	s30 =	sld [smem:$0x0];
	_ =	sdelay $0x2  }
0xb9: {  	s31 =	sshll.u32 s1, $0xD;
	s1 =	sshrl.u32 s1, $0x2  }
0xba: {  	s3 =	sand.u32 $0x4000, s31;
	s1 =	sadd.s32 s1, s30  }
0xbb: {  	s0 =	sor.u32 s3, s0;
	s1 =	sshll.u32 s1, $0x11  }
0xbc: {  	s0 =	sor.u32 s1, s0  }
0xbd: {  	s0 =	sadd.s32 $0x8F2B, s0  }
0xbe: {  	[sflag:s0] =	ssyncadd.remote.s32 $0x1  }
0xbf: {  	_ =	sfence.sel $0xFFFF  }
0xc0: {  	[dreg:$0x0] =	wrdreg $0xFFFFFFFF;
	(pc) =	sbr.abs _section_cstart, $3  }
0xc1: {  	[dreg:$0x1] =	wrdreg $0xFFFFFFFF  }
0xc2: {  	_ =	task.clear_ibuf [dreg:s8], $0x2FFFF;
	_ =	strace $0x9FFFFFFF  }
0xc3: {  	(tm) =	ssettm $0x7FFFFFFF  }
tec
execute0_lowered:
.L_overlay_start_1:
0x0: {  	(tag) =	ssettag $0x1  }
0x1: {  	s0 =	srdreg.scid;
	s1 =	rddreg [dreg:$0x0]  }
0x2: {  	s4 =	stileid.u32;
	s2 =	rddreg [dreg:$0x1]  }
0x3: {  	s5 =	simm.s32 $0x0;
	s16 =	simm.s32 $0x400;
	s17 =	simm.s32 $0x8000  }
0x4: {  	s19 =	simm.s32 $0x5;
	s20 =	simm.s32 $0x1000;
	s21 =	simm.s32 $0x5000  }
0x5: {  	s22 =	simm.s32 $0x9000;
	s23 =	simm.s32 $0xD000;
	s24 =	simm.s32 $0x1  }
0x6: {  	s25 =	simm.s32 $0x2;
	s26 =	simm.s32 $0x3;
	s0 =	sand.u32 $0x1, s0  }
0x7: {  	s28 =	simm.s32 $0x4;
	s4 =	sshll.u32 s4, $0xA;
	s3 =	sshll.u32 s0, $0xE  }
0x8: {  	s29 =	simm.s32 $0x0;
	s0 =	ssub.s32 $0x2, s0;
	s4 =	sor.u32 s4, s3  }
0x9: {  	[smem:$0x7FF] =	sst s5;
	s6 =	sshrl.u32 s0, $0x1;
	s3 =	sshrl.u32 s4, $0x3  }
0xa: {  	_ =	strace $0x80000047;
	s0 =	ssub.s32 s0, s6;
	s5 =	sadd.s32 s1, s3  }
0xb: {  	s7 =	sadd.s32 s2, s3;
	s15 =	smax.u32 s0, $0x1;
	s1 =	sadd.s32 $0x3000, s5  }
0xc: {  	s31 =	sadd.s32 $0x10000, s7;
	s9 =	sadd.s32 $0x20000, s7;
	s10 =	sadd.s32 $0x30000, s7  }
0xd: {  	v0 =	vimm.f32 $0.0e+00;
	v1 =	vlaneseq.u32;
	s11 =	sadd.s32 $0x40000, s7;
	s12 =	sadd.s32 $0x50000, s7;
	[dreg:$0x3] =	wrdreg s1  }
0xe: {  	v2 =	vimm.f32 $1.000000000e+00;
	v3 =	vor.u32 $0xFFFF0000, v1;
	v4 =	vor.u32 $0xFFFF0C00, v1;
	s13 =	sadd.s32 $0x60000, s7;
	s14 =	sadd.s32 $0x6D000, s7;
	[dreg:$0x4] =	wrdreg s31  }
.LBB2_1:
0xf: {  	s0 =	simm.s32 $0x0  }
0x10: {  	[tilespmem:s0], [sflag:$0x5] =	stream.strided.gather [hbm4b:s5+s16], $0xC00, s17, s16, $0x38;
	[tilespmem:$0x11000] =	vst v63  }
0x11: {  	s1 =	rddreg [dreg:$0x3];
	s3 =	simm.s32 $0xC00  }
0x12: {  	[tilespmem:s3], [sflag:$0x5] =	stream.linear.gather [hbm4b:s1+s0], $0x100, $0x38;
	[tilespmem:$0x11000] =	vst v63  }
0x13: {  	_ =	swait.ge [sflag:s19], $0xD00  }
0x14: {  	[sflag:s19] =	ssyncset.done $0x0  }
0x15: {  	s0 =	simm.s32 $0x0;
	s1 =	simm.s32 $0x200;
	[sflag:s19] =	ssyncadd.s32 $0xFFFFF300  }
.LBB2_2:
0x16: {  	p0 =	sne.s32 s1, $0xFE00;
	[tilespmem:s0+$0x1070] =	vst v0  }
0x17: {  	[tilespmem:s0+$0x1000] =	vst v0  }
0x18: {  	[tilespmem:s0+$0x1010] =	vst v0  }
.Ltmp0:
0x19: {  	[tilespmem:s0+$0x1020] =	vst v0;
	(pc) =	sbr.rel @p0 .LBB2_2-.Ltmp0, $4  }
0x1a: {  	[tilespmem:s0+$0x1030] =	vst v0  }
0x1b: {  	[tilespmem:s0+$0x1040] =	vst v0  }
0x1c: {  	[tilespmem:s0+$0x1050] =	vst v0  }
0x1d: {  	[tilespmem:s0+$0x1060] =	vst v0;
	s0 =	sshra.s32 s1, $0x2;
	s1 =	sadd.s32 $0x200, s1  }
0x1e: {  	[tilespmem:s0+$0x1070] =	vst v0  }
0x1f: {  	[tilespmem:s0+$0x1000] =	vst v0  }
0x20: {  	[tilespmem:s0+$0x1010] =	vst v0  }
0x21: {  	[tilespmem:s0+$0x1020] =	vst v0  }
0x22: {  	[tilespmem:s0+$0x1030] =	vst v0  }
0x23: {  	[tilespmem:s0+$0x1040] =	vst v0  }
0x24: {  	[tilespmem:s0+$0x1050] =	vst v0  }
0x25: {  	[tilespmem:s0+$0x1060] =	vst v0;
	s0 =	simm.s32 $0x0  }
0x26: {  	s1 =	simm.s32 $0x10;
	s3 =	simm.s32 $0x0;
	v5 =	vld [tilespmem:s0+$0x0]  }
.LBB2_4:
0x27: {  	p0 =	sne.s32 s1, $0x70;
	_ =	sdelay $0x3  }
0x28: {  	v6 =	vshll.u32 v5, $0x7  }
0x29: {  	vm0 =	vlt.u32 v5, $0x80;
	v5 =	vadd.s32 s0, v6;
	s0 =	smov.u32 s1  }
0x2a: {  	v5 =	vadd.s32 v1, v5;
	_ =	sdelay $0x1  }
.Ltmp1:
0x2b: {  	(pc) =	sbr.rel @p0 .LBB2_4-.Ltmp1, $3  }
0x2c: {  	_ =	sdelay $0x1  }
0x2d: {  	s3 =	sadd.s32 $0x10, s3;
	[tilespmem:v5+s20+$0x0] =	vst.idx.msk vm0, v2  }
0x2e: {  	s1 =	sadd.s32 $0x10, s1;
	v5 =	vld [tilespmem:s3+$0x0]  }
0x2f: {  	_ =	sdelay $0x3  }
0x30: {  	v6 =	vshll.u32 v5, $0x7  }
0x31: {  	vm0 =	vlt.u32 v5, $0x80;
	v5 =	vadd.s32 s0, v6  }
0x32: {  	v5 =	vadd.s32 v1, v5;
	_ =	sdelay $0x4  }
0x33: {  	s1 =	simm.s32 $0x0;
	s3 =	simm.s32 $0x200;
	s0 =	simm.s32 $0x0;
	[tilespmem:v5+s20+$0x0] =	vst.idx.msk vm0, v2  }
0x34: {  	[hbm4b:s7+s16] =	stream.strided.scatter [tilespmem:s20], [sflag:$0x1], $0x4000, s17, s16, $0x38;
	[tilespmem:$0x11000] =	vst v63  }
.LBB2_6:
0x35: {  	p0 =	sne.s32 s3, $0xFE00;
	[tilespmem:s1+$0x5070] =	vst v0  }
0x36: {  	[tilespmem:s1+$0x5000] =	vst v0  }
0x37: {  	[tilespmem:s1+$0x5010] =	vst v0  }
.Ltmp2:
0x38: {  	[tilespmem:s1+$0x5020] =	vst v0;
	(pc) =	sbr.rel @p0 .LBB2_6-.Ltmp2, $4  }
0x39: {  	[tilespmem:s1+$0x5030] =	vst v0  }
0x3a: {  	[tilespmem:s1+$0x5040] =	vst v0  }
0x3b: {  	[tilespmem:s1+$0x5050] =	vst v0  }
0x3c: {  	[tilespmem:s1+$0x5060] =	vst v0;
	s1 =	sshra.s32 s3, $0x2;
	s3 =	sadd.s32 $0x200, s3  }
0x3d: {  	[tilespmem:s1+$0x5070] =	vst v0  }
0x3e: {  	[tilespmem:s1+$0x5000] =	vst v0  }
0x3f: {  	[tilespmem:s1+$0x5010] =	vst v0  }
0x40: {  	[tilespmem:s1+$0x5020] =	vst v0  }
0x41: {  	[tilespmem:s1+$0x5030] =	vst v0  }
0x42: {  	[tilespmem:s1+$0x5040] =	vst v0  }
0x43: {  	[tilespmem:s1+$0x5050] =	vst v0  }
0x44: {  	[tilespmem:s1+$0x5060] =	vst v0  }
0x45: {  	s1 =	simm.s32 $0x10;
	s3 =	simm.s32 $0x0;
	v5 =	vld [tilespmem:s0+$0x0]  }
.LBB2_8:
0x46: {  	p0 =	sne.s32 s1, $0x70;
	_ =	sdelay $0x3  }
0x47: {  	v6 =	vand.u32 $0xFFFFFF80, v5;
	v5 =	vshll.u32 v5, $0x7  }
0x48: {  	vm0 =	veq.s32 v6, $0x80;
	v5 =	vadd.s32 s0, v5;
	s0 =	smov.u32 s1  }
0x49: {  	v5 =	vadd.s32 v1, v5;
	_ =	sdelay $0x1  }
.Ltmp3:
0x4a: {  	(pc) =	sbr.rel @p0 .LBB2_8-.Ltmp3, $3  }
0x4b: {  	_ =	sdelay $0x1  }
0x4c: {  	s3 =	sadd.s32 $0x10, s3;
	[tilespmem:v5+s20+$0x0] =	vst.idx.msk vm0, v2  }
0x4d: {  	s1 =	sadd.s32 $0x10, s1;
	v5 =	vld [tilespmem:s3+$0x0]  }
0x4e: {  	_ =	sdelay $0x3  }
0x4f: {  	v6 =	vand.u32 $0xFFFFFF80, v5;
	v5 =	vshll.u32 v5, $0x7  }
0x50: {  	vm0 =	veq.s32 v6, $0x80;
	v5 =	vadd.s32 s0, v5  }
0x51: {  	v5 =	vadd.s32 v1, v5;
	_ =	sdelay $0x3  }
0x52: {  	s31 =	rddreg [dreg:$0x4]  }
0x53: {  	s1 =	simm.s32 $0x0;
	s3 =	simm.s32 $0x200;
	s0 =	simm.s32 $0x0;
	[tilespmem:v5+s20+$0x0] =	vst.idx.msk vm0, v2  }
0x54: {  	[hbm4b:s31+s16] =	stream.strided.scatter [tilespmem:s21], [sflag:$0x2], $0x4000, s17, s16, $0x38;
	[tilespmem:$0x11000] =	vst v63  }
.LBB2_10:
0x55: {  	p0 =	sne.s32 s3, $0xFE00;
	[tilespmem:s1+$0x9070] =	vst v0  }
0x56: {  	[tilespmem:s1+$0x9000] =	vst v0  }
0x57: {  	[tilespmem:s1+$0x9010] =	vst v0  }
.Ltmp4:
0x58: {  	[tilespmem:s1+$0x9020] =	vst v0;
	(pc) =	sbr.rel @p0 .LBB2_10-.Ltmp4, $4  }
0x59: {  	[tilespmem:s1+$0x9030] =	vst v0  }
0x5a: {  	[tilespmem:s1+$0x9040] =	vst v0  }
0x5b: {  	[tilespmem:s1+$0x9050] =	vst v0  }
0x5c: {  	[tilespmem:s1+$0x9060] =	vst v0;
	s1 =	sshra.s32 s3, $0x2;
	s3 =	sadd.s32 $0x200, s3  }
0x5d: {  	[tilespmem:s1+$0x9070] =	vst v0  }
0x5e: {  	[tilespmem:s1+$0x9000] =	vst v0  }
0x5f: {  	[tilespmem:s1+$0x9010] =	vst v0  }
0x60: {  	[tilespmem:s1+$0x9020] =	vst v0  }
0x61: {  	[tilespmem:s1+$0x9030] =	vst v0  }
0x62: {  	[tilespmem:s1+$0x9040] =	vst v0  }
0x63: {  	[tilespmem:s1+$0x9050] =	vst v0  }
0x64: {  	[tilespmem:s1+$0x9060] =	vst v0  }
0x65: {  	s1 =	simm.s32 $0x10;
	s3 =	simm.s32 $0x0;
	v5 =	vld [tilespmem:s0+$0x0]  }
.LBB2_12:
0x66: {  	p0 =	sne.s32 s1, $0x70;
	_ =	sdelay $0x3  }
0x67: {  	v6 =	vand.u32 $0xFFFFFF80, v5;
	v5 =	vshll.u32 v5, $0x7  }
0x68: {  	vm0 =	veq.s32 v6, $0x100;
	v5 =	vadd.s32 s0, v5;
	s0 =	smov.u32 s1  }
0x69: {  	v5 =	vadd.s32 v1, v5;
	_ =	sdelay $0x1  }
.Ltmp5:
0x6a: {  	(pc) =	sbr.rel @p0 .LBB2_12-.Ltmp5, $3  }
0x6b: {  	_ =	sdelay $0x1  }
0x6c: {  	s3 =	sadd.s32 $0x10, s3;
	[tilespmem:v5+s20+$0x0] =	vst.idx.msk vm0, v2  }
0x6d: {  	s1 =	sadd.s32 $0x10, s1;
	v5 =	vld [tilespmem:s3+$0x0]  }
0x6e: {  	_ =	sdelay $0x3  }
0x6f: {  	v6 =	vand.u32 $0xFFFFFF80, v5;
	v5 =	vshll.u32 v5, $0x7  }
0x70: {  	vm0 =	veq.s32 v6, $0x100;
	v5 =	vadd.s32 s0, v5  }
0x71: {  	v5 =	vadd.s32 v1, v5;
	_ =	sdelay $0x4  }
0x72: {  	s1 =	simm.s32 $0x0;
	s3 =	simm.s32 $0x200;
	s0 =	simm.s32 $0x0;
	[tilespmem:v5+s20+$0x0] =	vst.idx.msk vm0, v2  }
0x73: {  	[hbm4b:s9+s16] =	stream.strided.scatter [tilespmem:s22], [sflag:$0x3], $0x4000, s17, s16, $0x38;
	[tilespmem:$0x11000] =	vst v63  }
.LBB2_14:
0x74: {  	p0 =	sne.s32 s3, $0xFE00;
	[tilespmem:s1+$0xD070] =	vst v0  }
0x75: {  	[tilespmem:s1+$0xD000] =	vst v0  }
0x76: {  	[tilespmem:s1+$0xD010] =	vst v0  }
.Ltmp6:
0x77: {  	[tilespmem:s1+$0xD020] =	vst v0;
	(pc) =	sbr.rel @p0 .LBB2_14-.Ltmp6, $4  }
0x78: {  	[tilespmem:s1+$0xD030] =	vst v0  }
0x79: {  	[tilespmem:s1+$0xD040] =	vst v0  }
0x7a: {  	[tilespmem:s1+$0xD050] =	vst v0  }
0x7b: {  	[tilespmem:s1+$0xD060] =	vst v0;
	s1 =	sshra.s32 s3, $0x2;
	s3 =	sadd.s32 $0x200, s3  }
0x7c: {  	[tilespmem:s1+$0xD070] =	vst v0  }
0x7d: {  	[tilespmem:s1+$0xD000] =	vst v0  }
0x7e: {  	[tilespmem:s1+$0xD010] =	vst v0  }
0x7f: {  	[tilespmem:s1+$0xD020] =	vst v0  }
0x80: {  	[tilespmem:s1+$0xD030] =	vst v0  }
0x81: {  	[tilespmem:s1+$0xD040] =	vst v0  }
0x82: {  	[tilespmem:s1+$0xD050] =	vst v0  }
0x83: {  	[tilespmem:s1+$0xD060] =	vst v0  }
0x84: {  	s1 =	simm.s32 $0x10;
	s3 =	simm.s32 $0x0;
	v5 =	vld [tilespmem:s0+$0x0]  }
.LBB2_16:
0x85: {  	p0 =	sne.s32 s1, $0x70;
	_ =	sdelay $0x3  }
0x86: {  	v6 =	vand.u32 $0xFFFFFF80, v5;
	v5 =	vshll.u32 v5, $0x7  }
0x87: {  	vm0 =	veq.s32 v6, $0x180;
	v5 =	vadd.s32 s0, v5;
	s0 =	smov.u32 s1  }
0x88: {  	v5 =	vadd.s32 v1, v5;
	_ =	sdelay $0x1  }
.Ltmp7:
0x89: {  	(pc) =	sbr.rel @p0 .LBB2_16-.Ltmp7, $3  }
0x8a: {  	_ =	sdelay $0x1  }
0x8b: {  	s3 =	sadd.s32 $0x10, s3;
	[tilespmem:v5+s20+$0x0] =	vst.idx.msk vm0, v2  }
0x8c: {  	s1 =	sadd.s32 $0x10, s1;
	v5 =	vld [tilespmem:s3+$0x0]  }
0x8d: {  	_ =	sdelay $0x3  }
0x8e: {  	v6 =	vand.u32 $0xFFFFFF80, v5;
	v5 =	vshll.u32 v5, $0x7  }
0x8f: {  	vm0 =	veq.s32 v6, $0x180;
	v5 =	vadd.s32 s0, v5  }
0x90: {  	v5 =	vadd.s32 v1, v5;
	_ =	sdelay $0x4  }
0x91: {  	[tilespmem:v5+s20+$0x0] =	vst.idx.msk vm0, v2  }
0x92: {  	[hbm4b:s10+s16] =	stream.strided.scatter [tilespmem:s23], [sflag:$0x4], $0x4000, s17, s16, $0x38;
	[tilespmem:$0x11000] =	vst v63  }
0x93: {  	_ =	swait.ge [sflag:s24], $0x4000  }
0x94: {  	[sflag:s24] =	ssyncset.done $0x0  }
0x95: {  	s0 =	simm.s32 $0x0;
	[sflag:s24] =	ssyncadd.s32 $0xFFFFC000  }
0x96: {  	s3 =	simm.s32 $0x10;
	s1 =	simm.s32 $0x0;
	s6 =	simm.s32 $0x0;
	v5 =	vld [tilespmem:s0+$0x0]  }
.LBB2_18:
0x97: {  	p0 =	sne.s32 s3, $0x70;
	_ =	sdelay $0x3  }
0x98: {  	v6 =	vshll.u32 v5, $0x7  }
0x99: {  	vm0 =	vlt.u32 v5, $0x80;
	v5 =	vadd.s32 s1, v6;
	s1 =	smov.u32 s3  }
0x9a: {  	v5 =	vadd.s32 v1, v5;
	_ =	sdelay $0x1  }
.Ltmp8:
0x9b: {  	(pc) =	sbr.rel @p0 .LBB2_18-.Ltmp8, $3  }
0x9c: {  	_ =	sdelay $0x1  }
0x9d: {  	s6 =	sadd.s32 $0x10, s6;
	[tilespmem:v5+s20+$0x0] =	vst.idx.msk vm0, v0  }
0x9e: {  	s3 =	sadd.s32 $0x10, s3;
	v5 =	vld [tilespmem:s6+$0x0]  }
0x9f: {  	_ =	sdelay $0x3  }
0xa0: {  	v6 =	vshll.u32 v5, $0x7  }
0xa1: {  	vm0 =	vlt.u32 v5, $0x80;
	v5 =	vadd.s32 s1, v6  }
0xa2: {  	v5 =	vadd.s32 v1, v5;
	_ =	sdelay $0x4  }
0xa3: {  	[tilespmem:v5+s20+$0x0] =	vst.idx.msk vm0, v0  }
0xa4: {  	s3 =	simm.s32 $0x0;
	s1 =	simm.s32 $0x10;
	v5 =	vld [tilespmem:s0+$0x0]  }
.LBB2_20:
0xa5: {  	p0 =	sne.s32 s1, $0x70;
	_ =	sdelay $0x3  }
0xa6: {  	v6 =	vand.u32 $0xFFFFFF80, v5;
	v5 =	vshll.u32 v5, $0x7  }
0xa7: {  	vm0 =	veq.s32 v6, $0x200;
	v5 =	vadd.s32 s0, v5;
	s0 =	smov.u32 s1  }
0xa8: {  	v5 =	vadd.s32 v3, v5;
	_ =	sdelay $0x1  }
.Ltmp9:
0xa9: {  	(pc) =	sbr.rel @p0 .LBB2_20-.Ltmp9, $3  }
0xaa: {  	_ =	sdelay $0x1  }
0xab: {  	s3 =	sadd.s32 $0x10, s3;
	[tilespmem:v5+s20+$0x0] =	vst.idx.msk vm0, v2  }
0xac: {  	s1 =	sadd.s32 $0x10, s1;
	v5 =	vld [tilespmem:s3+$0x0]  }
0xad: {  	_ =	sdelay $0x3  }
0xae: {  	v6 =	vand.u32 $0xFFFFFF80, v5;
	v5 =	vshll.u32 v5, $0x7  }
0xaf: {  	vm0 =	veq.s32 v6, $0x200;
	v5 =	vadd.s32 s0, v5  }
0xb0: {  	v5 =	vadd.s32 v3, v5;
	_ =	sdelay $0x4  }
0xb1: {  	[tilespmem:v5+s20+$0x0] =	vst.idx.msk vm0, v2  }
0xb2: {  	[hbm4b:s11+s16] =	stream.strided.scatter [tilespmem:s20], [sflag:$0x1], $0x4000, s17, s16, $0x38;
	[tilespmem:$0x11000] =	vst v63  }
0xb3: {  	_ =	swait.ge [sflag:s25], $0x4000  }
0xb4: {  	[sflag:s25] =	ssyncset.done $0x0  }
0xb5: {  	s0 =	simm.s32 $0x0;
	[sflag:s25] =	ssyncadd.s32 $0xFFFFC000  }
0xb6: {  	s3 =	simm.s32 $0x10;
	s1 =	simm.s32 $0x0;
	s6 =	simm.s32 $0x0;
	v5 =	vld [tilespmem:s0+$0x0]  }
.LBB2_22:
0xb7: {  	p0 =	sne.s32 s3, $0x70;
	_ =	sdelay $0x3  }
0xb8: {  	v6 =	vand.u32 $0xFFFFFF80, v5;
	v5 =	vshll.u32 v5, $0x7  }
0xb9: {  	vm0 =	veq.s32 v6, $0x80;
	v5 =	vadd.s32 s1, v5;
	s1 =	smov.u32 s3  }
0xba: {  	v5 =	vadd.s32 v1, v5;
	_ =	sdelay $0x1  }
.Ltmp10:
0xbb: {  	(pc) =	sbr.rel @p0 .LBB2_22-.Ltmp10, $3  }
0xbc: {  	_ =	sdelay $0x1  }
0xbd: {  	s6 =	sadd.s32 $0x10, s6;
	[tilespmem:v5+s20+$0x0] =	vst.idx.msk vm0, v0  }
0xbe: {  	s3 =	sadd.s32 $0x10, s3;
	v5 =	vld [tilespmem:s6+$0x0]  }
0xbf: {  	_ =	sdelay $0x3  }
0xc0: {  	v6 =	vand.u32 $0xFFFFFF80, v5;
	v5 =	vshll.u32 v5, $0x7  }
0xc1: {  	vm0 =	veq.s32 v6, $0x80;
	v5 =	vadd.s32 s1, v5  }
0xc2: {  	v5 =	vadd.s32 v1, v5;
	_ =	sdelay $0x4  }
0xc3: {  	[tilespmem:v5+s20+$0x0] =	vst.idx.msk vm0, v0  }
0xc4: {  	s3 =	simm.s32 $0x0;
	s1 =	simm.s32 $0x10;
	v5 =	vld [tilespmem:s0+$0x0]  }
.LBB2_24:
0xc5: {  	p0 =	sne.s32 s1, $0x70;
	_ =	sdelay $0x3  }
0xc6: {  	v6 =	vand.u32 $0xFFFFFF80, v5;
	v5 =	vshll.u32 v5, $0x7  }
0xc7: {  	vm0 =	veq.s32 v6, $0x280;
	v5 =	vadd.s32 s0, v5;
	s0 =	smov.u32 s1  }
0xc8: {  	v5 =	vadd.s32 v3, v5;
	_ =	sdelay $0x1  }
.Ltmp11:
0xc9: {  	(pc) =	sbr.rel @p0 .LBB2_24-.Ltmp11, $3  }
0xca: {  	_ =	sdelay $0x1  }
0xcb: {  	s3 =	sadd.s32 $0x10, s3;
	[tilespmem:v5+s20+$0x0] =	vst.idx.msk vm0, v2  }
0xcc: {  	s1 =	sadd.s32 $0x10, s1;
	v5 =	vld [tilespmem:s3+$0x0]  }
0xcd: {  	_ =	sdelay $0x3  }
0xce: {  	v6 =	vand.u32 $0xFFFFFF80, v5;
	v5 =	vshll.u32 v5, $0x7  }
0xcf: {  	vm0 =	veq.s32 v6, $0x280;
	v5 =	vadd.s32 s0, v5  }
0xd0: {  	v5 =	vadd.s32 v3, v5;
	_ =	sdelay $0x4  }
0xd1: {  	[tilespmem:v5+s20+$0x0] =	vst.idx.msk vm0, v2  }
0xd2: {  	[hbm4b:s12+s16] =	stream.strided.scatter [tilespmem:s21], [sflag:$0x2], $0x4000, s17, s16, $0x38;
	[tilespmem:$0x11000] =	vst v63  }
0xd3: {  	_ =	swait.ge [sflag:s26], $0x4000  }
0xd4: {  	[sflag:s26] =	ssyncset.done $0x0  }
0xd5: {  	s0 =	simm.s32 $0x0;
	[sflag:s26] =	ssyncadd.s32 $0xFFFFC000  }
0xd6: {  	s3 =	simm.s32 $0x10;
	s1 =	simm.s32 $0x0;
	s6 =	simm.s32 $0x0;
	v5 =	vld [tilespmem:s0+$0x0]  }
.LBB2_26:
0xd7: {  	p0 =	sne.s32 s3, $0x70;
	_ =	sdelay $0x3  }
0xd8: {  	v6 =	vand.u32 $0xFFFFFF80, v5;
	v5 =	vshll.u32 v5, $0x7  }
0xd9: {  	vm0 =	veq.s32 v6, $0x100;
	v5 =	vadd.s32 s1, v5;
	s1 =	smov.u32 s3  }
0xda: {  	v5 =	vadd.s32 v1, v5;
	_ =	sdelay $0x1  }
.Ltmp12:
0xdb: {  	(pc) =	sbr.rel @p0 .LBB2_26-.Ltmp12, $3  }
0xdc: {  	_ =	sdelay $0x1  }
0xdd: {  	s6 =	sadd.s32 $0x10, s6;
	[tilespmem:v5+s20+$0x0] =	vst.idx.msk vm0, v0  }
0xde: {  	s3 =	sadd.s32 $0x10, s3;
	v5 =	vld [tilespmem:s6+$0x0]  }
0xdf: {  	_ =	sdelay $0x3  }
0xe0: {  	v6 =	vand.u32 $0xFFFFFF80, v5;
	v5 =	vshll.u32 v5, $0x7  }
0xe1: {  	vm0 =	veq.s32 v6, $0x100;
	v5 =	vadd.s32 s1, v5  }
0xe2: {  	v5 =	vadd.s32 v1, v5;
	_ =	sdelay $0x4  }
0xe3: {  	[tilespmem:v5+s20+$0x0] =	vst.idx.msk vm0, v0  }
0xe4: {  	s3 =	simm.s32 $0x0;
	s1 =	simm.s32 $0x10;
	v5 =	vld [tilespmem:s0+$0x0]  }
.LBB2_28:
0xe5: {  	p0 =	sne.s32 s1, $0x70;
	_ =	sdelay $0x3  }
0xe6: {  	v6 =	vadd.s32 $0xFFFFFD00, v5;
	v5 =	vshll.u32 v5, $0x7  }
0xe7: {  	vm0 =	vlt.u32 v6, $0x68;
	v5 =	vadd.s32 s0, v5;
	s0 =	smov.u32 s1  }
0xe8: {  	v5 =	vadd.s32 v3, v5;
	_ =	sdelay $0x1  }
.Ltmp13:
0xe9: {  	(pc) =	sbr.rel @p0 .LBB2_28-.Ltmp13, $3  }
0xea: {  	_ =	sdelay $0x1  }
0xeb: {  	s3 =	sadd.s32 $0x10, s3;
	[tilespmem:v5+s20+$0x0] =	vst.idx.msk vm0, v2  }
0xec: {  	s1 =	sadd.s32 $0x10, s1;
	v5 =	vld [tilespmem:s3+$0x0]  }
0xed: {  	_ =	sdelay $0x3  }
0xee: {  	v6 =	vadd.s32 $0xFFFFFD00, v5;
	v5 =	vshll.u32 v5, $0x7  }
0xef: {  	vm0 =	vlt.u32 v6, $0x68;
	v5 =	vadd.s32 s0, v5  }
0xf0: {  	v5 =	vadd.s32 v3, v5;
	_ =	sdelay $0x4  }
0xf1: {  	[tilespmem:v5+s20+$0x0] =	vst.idx.msk vm0, v2  }
0xf2: {  	[hbm4b:s13+s16] =	stream.strided.scatter [tilespmem:s22], [sflag:$0x3], $0x3400, s17, s16, $0x38;
	[tilespmem:$0x11000] =	vst v63  }
0xf3: {  	_ =	swait.ge [sflag:s28], $0x4000  }
0xf4: {  	[sflag:s28] =	ssyncset.done $0x0  }
0xf5: {  	s0 =	simm.s32 $0x0;
	[sflag:s28] =	ssyncadd.s32 $0xFFFFC000  }
0xf6: {  	s3 =	simm.s32 $0x10;
	s1 =	simm.s32 $0x0;
	s6 =	simm.s32 $0x0;
	v5 =	vld [tilespmem:s0+$0x0]  }
.LBB2_30:
0xf7: {  	p0 =	sne.s32 s3, $0x70;
	_ =	sdelay $0x3  }
0xf8: {  	v6 =	vand.u32 $0xFFFFFF80, v5;
	v5 =	vshll.u32 v5, $0x7  }
0xf9: {  	vm0 =	veq.s32 v6, $0x180;
	v5 =	vadd.s32 s1, v5;
	s1 =	smov.u32 s3  }
0xfa: {  	v5 =	vadd.s32 v1, v5;
	_ =	sdelay $0x1  }
.Ltmp14:
0xfb: {  	(pc) =	sbr.rel @p0 .LBB2_30-.Ltmp14, $3  }
0xfc: {  	_ =	sdelay $0x1  }
0xfd: {  	s6 =	sadd.s32 $0x10, s6;
	[tilespmem:v5+s20+$0x0] =	vst.idx.msk vm0, v0  }
0xfe: {  	s3 =	sadd.s32 $0x10, s3;
	v5 =	vld [tilespmem:s6+$0x0]  }
0xff: {  	_ =	sdelay $0x3  }
0x100: {  	v6 =	vand.u32 $0xFFFFFF80, v5;
	v5 =	vshll.u32 v5, $0x7  }
0x101: {  	vm0 =	veq.s32 v6, $0x180;
	v5 =	vadd.s32 s1, v5  }
0x102: {  	v5 =	vadd.s32 v1, v5;
	_ =	sdelay $0x4  }
0x103: {  	[tilespmem:v5+s20+$0x0] =	vst.idx.msk vm0, v0  }
0x104: {  	s3 =	simm.s32 $0x0;
	s1 =	simm.s32 $0x10;
	v5 =	vld [tilespmem:s0+$0x0]  }
.LBB2_32:
0x105: {  	p0 =	sne.s32 s1, $0x70;
	_ =	sdelay $0x3  }
0x106: {  	v6 =	vadd.s32 $0xFFFFFC98, v5;
	v5 =	vshll.u32 v5, $0x7  }
0x107: {  	vm0 =	vlt.u32 v6, $0x80;
	v5 =	vadd.s32 s0, v5;
	s0 =	smov.u32 s1  }
0x108: {  	v5 =	vadd.s32 v4, v5;
	_ =	sdelay $0x1  }
.Ltmp15:
0x109: {  	(pc) =	sbr.rel @p0 .LBB2_32-.Ltmp15, $3  }
0x10a: {  	_ =	sdelay $0x1  }
0x10b: {  	s3 =	sadd.s32 $0x10, s3;
	[tilespmem:v5+s20+$0x0] =	vst.idx.msk vm0, v2  }
0x10c: {  	s1 =	sadd.s32 $0x10, s1;
	v5 =	vld [tilespmem:s3+$0x0]  }
0x10d: {  	_ =	sdelay $0x3  }
0x10e: {  	v6 =	vadd.s32 $0xFFFFFC98, v5;
	v5 =	vshll.u32 v5, $0x7  }
0x10f: {  	vm0 =	vlt.u32 v6, $0x80;
	v5 =	vadd.s32 s0, v5  }
0x110: {  	v5 =	vadd.s32 v4, v5;
	_ =	sdelay $0x4  }
0x111: {  	s30 =	simm.s32 $0x1;
	s8 =	simm.s32 $0x0;
	s1 =	simm.s32 $0x80;
	[tilespmem:v5+s20+$0x0] =	vst.idx.msk vm0, v2  }
0x112: {  	[hbm4b:s14+s16] =	stream.strided.scatter [tilespmem:s23], [sflag:$0x4], $0x4000, s17, s16, $0x38;
	[tilespmem:$0x11000] =	vst v63  }
.LBB2_34:
0x113: {  	_ =	swait.ge [sflag:s24], $0x4000  }
0x114: {  	[sflag:s24] =	ssyncset.done $0x0  }
0x115: {  	s0 =	smov.u32 s8;
	s3 =	simm.s32 $0x0;
	[sflag:s24] =	ssyncadd.s32 $0xFFFFC000  }
.LBB2_35:
0x116: {  	v5 =	vld [tilespmem:s0+$0x0];
	_ =	sdelay $0x4  }
0x117: {  	v6 =	vand.u32 $0xFFFFFF80, v5;
	v5 =	vshll.u32 v5, $0x7  }
0x118: {  	vm0 =	veq.s32 v6, $0x200;
	v5 =	vadd.s32 s3, v5  }
0x119: {  	p0 =	sne.s32 s3, $0x70;
	v5 =	vadd.s32 v3, v5  }
.Ltmp16:
0x11a: {  	_ = 	snop;
	(pc) =	sbr.rel @p0 .LBB2_35-.Ltmp16, $2  }
0x11b: {  	_ =	sdelay $0x2  }
0x11c: {  	s0 =	sadd.s32 $0x10, s0;
	s3 =	sadd.s32 $0x10, s3;
	[tilespmem:v5+s20+$0x0] =	vst.idx.msk vm0, v0  }
0x11d: {  	s0 =	simm.s32 $0x0;
	v5 =	vld [tilespmem:s1+$0x0];
	s3 =	simm.s32 $0x10;
	s6 =	smov.u32 s1  }
.LBB2_37:
0x11e: {  	p0 =	sne.s32 s3, $0x70;
	_ =	sdelay $0x3  }
0x11f: {  	v6 =	vshll.u32 v5, $0x7  }
0x120: {  	vm0 =	vlt.u32 v5, $0x80;
	v5 =	vadd.s32 s0, v6;
	s0 =	smov.u32 s3  }
0x121: {  	v5 =	vadd.s32 v1, v5;
	_ =	sdelay $0x1  }
.Ltmp17:
0x122: {  	(pc) =	sbr.rel @p0 .LBB2_37-.Ltmp17, $3  }
0x123: {  	_ =	sdelay $0x1  }
0x124: {  	s6 =	sadd.s32 $0x10, s6;
	[tilespmem:v5+s20+$0x0] =	vst.idx.msk vm0, v2  }
0x125: {  	s3 =	sadd.s32 $0x10, s3;
	v5 =	vld [tilespmem:s6+$0x0]  }
0x126: {  	_ =	sdelay $0x3  }
0x127: {  	v6 =	vshll.u32 v5, $0x7  }
0x128: {  	vm0 =	vlt.u32 v5, $0x80;
	v5 =	vadd.s32 s0, v6  }
0x129: {  	v5 =	vadd.s32 v1, v5  }
0x12a: {  	s18 =	smul.u32 $0x3E8000, s30;
	_ =	sdelay $0x1  }
0x12b: {  	s0 =	sor.u32 s4, s18  }
0x12c: {  	s0 =	sshrl.u32 s0, $0x3  }
0x12d: {  	s0 =	sadd.s32 s2, s0;
	[tilespmem:v5+s20+$0x0] =	vst.idx.msk vm0, v2  }
0x12e: {  	[hbm4b:s0+s16] =	stream.strided.scatter [tilespmem:s20], [sflag:$0x1], $0x4000, s17, s16, $0x38;
	[tilespmem:$0x11000] =	vst v63  }
0x12f: {  	_ =	swait.ge [sflag:s25], $0x4000  }
0x130: {  	[sflag:s25] =	ssyncset.done $0x0  }
0x131: {  	s6 =	simm.s32 $0x10;
	[sflag:s25] =	ssyncadd.s32 $0xFFFFC000  }
0x132: {  	s3 =	simm.s32 $0x0;
	s31 =	smov.u32 s8;
	s18 =	simm.s32 $0x0;
	v5 =	vld [tilespmem:s8+$0x0]  }
.LBB2_39:
0x133: {  	p0 =	sne.s32 s6, $0x70;
	_ =	sdelay $0x3  }
0x134: {  	v6 =	vand.u32 $0xFFFFFF80, v5;
	v5 =	vshll.u32 v5, $0x7  }
0x135: {  	vm0 =	veq.s32 v6, $0x280;
	v5 =	vadd.s32 s3, v5;
	s3 =	smov.u32 s6  }
0x136: {  	v5 =	vadd.s32 v3, v5;
	_ =	sdelay $0x1  }
.Ltmp18:
0x137: {  	(pc) =	sbr.rel @p0 .LBB2_39-.Ltmp18, $3  }
0x138: {  	_ =	sdelay $0x1  }
0x139: {  	s31 =	sadd.s32 $0x10, s31;
	[tilespmem:v5+s20+$0x0] =	vst.idx.msk vm0, v0  }
0x13a: {  	s6 =	sadd.s32 $0x10, s6;
	v5 =	vld [tilespmem:s31+$0x0]  }
0x13b: {  	_ =	sdelay $0x3  }
0x13c: {  	v6 =	vand.u32 $0xFFFFFF80, v5;
	v5 =	vshll.u32 v5, $0x7  }
0x13d: {  	vm0 =	veq.s32 v6, $0x280;
	v5 =	vadd.s32 s3, v5  }
0x13e: {  	v5 =	vadd.s32 v3, v5;
	_ =	sdelay $0x4  }
0x13f: {  	[tilespmem:v5+s20+$0x0] =	vst.idx.msk vm0, v0  }
0x140: {  	s6 =	smov.u32 s1;
	s3 =	simm.s32 $0x10;
	v5 =	vld [tilespmem:s1+$0x0]  }
.LBB2_41:
0x141: {  	p0 =	sne.s32 s3, $0x70;
	_ =	sdelay $0x3  }
0x142: {  	v6 =	vand.u32 $0xFFFFFF80, v5;
	v5 =	vshll.u32 v5, $0x7  }
0x143: {  	vm0 =	veq.s32 v6, $0x80;
	v5 =	vadd.s32 s18, v5;
	s18 =	smov.u32 s3  }
0x144: {  	v5 =	vadd.s32 v1, v5;
	_ =	sdelay $0x1  }
.Ltmp19:
0x145: {  	(pc) =	sbr.rel @p0 .LBB2_41-.Ltmp19, $3  }
0x146: {  	_ =	sdelay $0x1  }
0x147: {  	s6 =	sadd.s32 $0x10, s6;
	[tilespmem:v5+s20+$0x0] =	vst.idx.msk vm0, v2  }
0x148: {  	s3 =	sadd.s32 $0x10, s3;
	v5 =	vld [tilespmem:s6+$0x0]  }
0x149: {  	_ =	sdelay $0x3  }
0x14a: {  	v6 =	vand.u32 $0xFFFFFF80, v5;
	v5 =	vshll.u32 v5, $0x7  }
0x14b: {  	vm0 =	veq.s32 v6, $0x80;
	v5 =	vadd.s32 s18, v5  }
0x14c: {  	v5 =	vadd.s32 v1, v5;
	_ =	sdelay $0x4  }
0x14d: {  	s3 =	sadd.s32 $0x10000, s0;
	[tilespmem:v5+s20+$0x0] =	vst.idx.msk vm0, v2  }
0x14e: {  	[hbm4b:s3+s16] =	stream.strided.scatter [tilespmem:s21], [sflag:$0x2], $0x4000, s17, s16, $0x38;
	[tilespmem:$0x11000] =	vst v63  }
0x14f: {  	_ =	swait.ge [sflag:s26], $0x3400  }
0x150: {  	[sflag:s26] =	ssyncset.done $0x0  }
0x151: {  	s6 =	simm.s32 $0x10;
	[sflag:s26] =	ssyncadd.s32 $0xFFFFCC00  }
0x152: {  	s31 =	smov.u32 s8;
	s18 =	simm.s32 $0x0;
	s3 =	simm.s32 $0x0;
	v5 =	vld [tilespmem:s8+$0x0]  }
.LBB2_43:
0x153: {  	p0 =	sne.s32 s6, $0x70;
	_ =	sdelay $0x3  }
0x154: {  	v6 =	vadd.s32 $0xFFFFFD00, v5;
	v5 =	vshll.u32 v5, $0x7  }
0x155: {  	vm0 =	vlt.u32 v6, $0x68;
	v5 =	vadd.s32 s3, v5;
	s3 =	smov.u32 s6  }
0x156: {  	v5 =	vadd.s32 v3, v5;
	_ =	sdelay $0x1  }
.Ltmp20:
0x157: {  	(pc) =	sbr.rel @p0 .LBB2_43-.Ltmp20, $3  }
0x158: {  	_ =	sdelay $0x1  }
0x159: {  	s31 =	sadd.s32 $0x10, s31;
	[tilespmem:v5+s20+$0x0] =	vst.idx.msk vm0, v0  }
0x15a: {  	s6 =	sadd.s32 $0x10, s6;
	v5 =	vld [tilespmem:s31+$0x0]  }
0x15b: {  	_ =	sdelay $0x3  }
0x15c: {  	v6 =	vadd.s32 $0xFFFFFD00, v5;
	v5 =	vshll.u32 v5, $0x7  }
0x15d: {  	vm0 =	vlt.u32 v6, $0x68;
	v5 =	vadd.s32 s3, v5  }
0x15e: {  	v5 =	vadd.s32 v3, v5;
	_ =	sdelay $0x4  }
0x15f: {  	[tilespmem:v5+s20+$0x0] =	vst.idx.msk vm0, v0  }
0x160: {  	s6 =	smov.u32 s1;
	s3 =	simm.s32 $0x10;
	v5 =	vld [tilespmem:s1+$0x0]  }
.LBB2_45:
0x161: {  	p0 =	sne.s32 s3, $0x70;
	_ =	sdelay $0x3  }
0x162: {  	v6 =	vand.u32 $0xFFFFFF80, v5;
	v5 =	vshll.u32 v5, $0x7  }
0x163: {  	vm0 =	veq.s32 v6, $0x100;
	v5 =	vadd.s32 s18, v5;
	s18 =	smov.u32 s3  }
0x164: {  	v5 =	vadd.s32 v1, v5;
	_ =	sdelay $0x1  }
.Ltmp21:
0x165: {  	(pc) =	sbr.rel @p0 .LBB2_45-.Ltmp21, $3  }
0x166: {  	_ =	sdelay $0x1  }
0x167: {  	s6 =	sadd.s32 $0x10, s6;
	[tilespmem:v5+s20+$0x0] =	vst.idx.msk vm0, v2  }
0x168: {  	s3 =	sadd.s32 $0x10, s3;
	v5 =	vld [tilespmem:s6+$0x0]  }
0x169: {  	_ =	sdelay $0x3  }
0x16a: {  	v6 =	vand.u32 $0xFFFFFF80, v5;
	v5 =	vshll.u32 v5, $0x7  }
0x16b: {  	vm0 =	veq.s32 v6, $0x100;
	v5 =	vadd.s32 s18, v5  }
0x16c: {  	v5 =	vadd.s32 v1, v5;
	_ =	sdelay $0x4  }
0x16d: {  	s3 =	sadd.s32 $0x20000, s0;
	[tilespmem:v5+s20+$0x0] =	vst.idx.msk vm0, v2  }
0x16e: {  	[hbm4b:s3+s16] =	stream.strided.scatter [tilespmem:s22], [sflag:$0x3], $0x4000, s17, s16, $0x38;
	[tilespmem:$0x11000] =	vst v63  }
0x16f: {  	_ =	swait.ge [sflag:s28], $0x4000  }
0x170: {  	[sflag:s28] =	ssyncset.done $0x0  }
0x171: {  	s6 =	simm.s32 $0x10;
	[sflag:s28] =	ssyncadd.s32 $0xFFFFC000  }
0x172: {  	s31 =	smov.u32 s8;
	s18 =	simm.s32 $0x0;
	s3 =	simm.s32 $0x0;
	v5 =	vld [tilespmem:s8+$0x0]  }
.LBB2_47:
0x173: {  	p0 =	sne.s32 s6, $0x70;
	_ =	sdelay $0x3  }
0x174: {  	v6 =	vadd.s32 $0xFFFFFC98, v5;
	v5 =	vshll.u32 v5, $0x7  }
0x175: {  	vm0 =	vlt.u32 v6, $0x80;
	v5 =	vadd.s32 s3, v5;
	s3 =	smov.u32 s6  }
0x176: {  	v5 =	vadd.s32 v4, v5;
	_ =	sdelay $0x1  }
.Ltmp22:
0x177: {  	(pc) =	sbr.rel @p0 .LBB2_47-.Ltmp22, $3  }
0x178: {  	_ =	sdelay $0x1  }
0x179: {  	s31 =	sadd.s32 $0x10, s31;
	[tilespmem:v5+s20+$0x0] =	vst.idx.msk vm0, v0  }
0x17a: {  	s6 =	sadd.s32 $0x10, s6;
	v5 =	vld [tilespmem:s31+$0x0]  }
0x17b: {  	_ =	sdelay $0x3  }
0x17c: {  	v6 =	vadd.s32 $0xFFFFFC98, v5;
	v5 =	vshll.u32 v5, $0x7  }
0x17d: {  	vm0 =	vlt.u32 v6, $0x80;
	v5 =	vadd.s32 s3, v5  }
0x17e: {  	v5 =	vadd.s32 v4, v5;
	_ =	sdelay $0x4  }
0x17f: {  	[tilespmem:v5+s20+$0x0] =	vst.idx.msk vm0, v0  }
0x180: {  	s6 =	smov.u32 s1;
	s3 =	simm.s32 $0x10;
	v5 =	vld [tilespmem:s1+$0x0]  }
.LBB2_49:
0x181: {  	p0 =	sne.s32 s3, $0x70;
	_ =	sdelay $0x3  }
0x182: {  	v6 =	vand.u32 $0xFFFFFF80, v5;
	v5 =	vshll.u32 v5, $0x7  }
0x183: {  	vm0 =	veq.s32 v6, $0x180;
	v5 =	vadd.s32 s18, v5;
	s18 =	smov.u32 s3  }
0x184: {  	v5 =	vadd.s32 v1, v5;
	_ =	sdelay $0x1  }
.Ltmp23:
0x185: {  	(pc) =	sbr.rel @p0 .LBB2_49-.Ltmp23, $3  }
0x186: {  	_ =	sdelay $0x1  }
0x187: {  	s6 =	sadd.s32 $0x10, s6;
	[tilespmem:v5+s20+$0x0] =	vst.idx.msk vm0, v2  }
0x188: {  	s3 =	sadd.s32 $0x10, s3;
	v5 =	vld [tilespmem:s6+$0x0]  }
0x189: {  	_ =	sdelay $0x3  }
0x18a: {  	v6 =	vand.u32 $0xFFFFFF80, v5;
	v5 =	vshll.u32 v5, $0x7  }
0x18b: {  	vm0 =	veq.s32 v6, $0x180;
	v5 =	vadd.s32 s18, v5  }
0x18c: {  	v5 =	vadd.s32 v1, v5;
	_ =	sdelay $0x4  }
0x18d: {  	s3 =	sadd.s32 $0x30000, s0;
	[tilespmem:v5+s20+$0x0] =	vst.idx.msk vm0, v2  }
0x18e: {  	[hbm4b:s3+s16] =	stream.strided.scatter [tilespmem:s23], [sflag:$0x4], $0x4000, s17, s16, $0x38;
	[tilespmem:$0x11000] =	vst v63  }
0x18f: {  	_ =	swait.ge [sflag:s24], $0x4000  }
0x190: {  	[sflag:s24] =	ssyncset.done $0x0  }
0x191: {  	s6 =	simm.s32 $0x10;
	[sflag:s24] =	ssyncadd.s32 $0xFFFFC000  }
0x192: {  	s31 =	smov.u32 s1;
	s18 =	simm.s32 $0x0;
	s3 =	simm.s32 $0x0;
	v5 =	vld [tilespmem:s1+$0x0]  }
.LBB2_51:
0x193: {  	p0 =	sne.s32 s6, $0x70;
	_ =	sdelay $0x3  }
0x194: {  	v6 =	vshll.u32 v5, $0x7  }
0x195: {  	vm0 =	vlt.u32 v5, $0x80;
	v5 =	vadd.s32 s3, v6;
	s3 =	smov.u32 s6  }
0x196: {  	v5 =	vadd.s32 v1, v5;
	_ =	sdelay $0x1  }
.Ltmp24:
0x197: {  	(pc) =	sbr.rel @p0 .LBB2_51-.Ltmp24, $3  }
0x198: {  	_ =	sdelay $0x1  }
0x199: {  	s31 =	sadd.s32 $0x10, s31;
	[tilespmem:v5+s20+$0x0] =	vst.idx.msk vm0, v0  }
0x19a: {  	s6 =	sadd.s32 $0x10, s6;
	v5 =	vld [tilespmem:s31+$0x0]  }
0x19b: {  	_ =	sdelay $0x3  }
0x19c: {  	v6 =	vshll.u32 v5, $0x7  }
0x19d: {  	vm0 =	vlt.u32 v5, $0x80;
	v5 =	vadd.s32 s3, v6  }
0x19e: {  	v5 =	vadd.s32 v1, v5;
	_ =	sdelay $0x4  }
0x19f: {  	[tilespmem:v5+s20+$0x0] =	vst.idx.msk vm0, v0  }
0x1a0: {  	s6 =	smov.u32 s1;
	s3 =	simm.s32 $0x10;
	v5 =	vld [tilespmem:s1+$0x0]  }
.LBB2_53:
0x1a1: {  	p0 =	sne.s32 s3, $0x70;
	_ =	sdelay $0x3  }
0x1a2: {  	v6 =	vand.u32 $0xFFFFFF80, v5;
	v5 =	vshll.u32 v5, $0x7  }
0x1a3: {  	vm0 =	veq.s32 v6, $0x200;
	v5 =	vadd.s32 s18, v5;
	s18 =	smov.u32 s3  }
0x1a4: {  	v5 =	vadd.s32 v3, v5;
	_ =	sdelay $0x1  }
.Ltmp25:
0x1a5: {  	(pc) =	sbr.rel @p0 .LBB2_53-.Ltmp25, $3  }
0x1a6: {  	_ =	sdelay $0x1  }
0x1a7: {  	s6 =	sadd.s32 $0x10, s6;
	[tilespmem:v5+s20+$0x0] =	vst.idx.msk vm0, v2  }
0x1a8: {  	s3 =	sadd.s32 $0x10, s3;
	v5 =	vld [tilespmem:s6+$0x0]  }
0x1a9: {  	_ =	sdelay $0x3  }
0x1aa: {  	v6 =	vand.u32 $0xFFFFFF80, v5;
	v5 =	vshll.u32 v5, $0x7  }
0x1ab: {  	vm0 =	veq.s32 v6, $0x200;
	v5 =	vadd.s32 s18, v5  }
0x1ac: {  	v5 =	vadd.s32 v3, v5;
	_ =	sdelay $0x4  }
0x1ad: {  	s3 =	sadd.s32 $0x40000, s0;
	[tilespmem:v5+s20+$0x0] =	vst.idx.msk vm0, v2  }
0x1ae: {  	[hbm4b:s3+s16] =	stream.strided.scatter [tilespmem:s20], [sflag:$0x1], $0x4000, s17, s16, $0x38;
	[tilespmem:$0x11000] =	vst v63  }
0x1af: {  	_ =	swait.ge [sflag:s25], $0x4000  }
0x1b0: {  	[sflag:s25] =	ssyncset.done $0x0  }
0x1b1: {  	s6 =	simm.s32 $0x10;
	[sflag:s25] =	ssyncadd.s32 $0xFFFFC000  }
0x1b2: {  	s31 =	smov.u32 s1;
	s18 =	simm.s32 $0x0;
	s3 =	simm.s32 $0x0;
	v5 =	vld [tilespmem:s1+$0x0]  }
.LBB2_55:
0x1b3: {  	p0 =	sne.s32 s6, $0x70;
	_ =	sdelay $0x3  }
0x1b4: {  	v6 =	vand.u32 $0xFFFFFF80, v5;
	v5 =	vshll.u32 v5, $0x7  }
0x1b5: {  	vm0 =	veq.s32 v6, $0x80;
	v5 =	vadd.s32 s3, v5;
	s3 =	smov.u32 s6  }
0x1b6: {  	v5 =	vadd.s32 v1, v5;
	_ =	sdelay $0x1  }
.Ltmp26:
0x1b7: {  	(pc) =	sbr.rel @p0 .LBB2_55-.Ltmp26, $3  }
0x1b8: {  	_ =	sdelay $0x1  }
0x1b9: {  	s31 =	sadd.s32 $0x10, s31;
	[tilespmem:v5+s20+$0x0] =	vst.idx.msk vm0, v0  }
0x1ba: {  	s6 =	sadd.s32 $0x10, s6;
	v5 =	vld [tilespmem:s31+$0x0]  }
0x1bb: {  	_ =	sdelay $0x3  }
0x1bc: {  	v6 =	vand.u32 $0xFFFFFF80, v5;
	v5 =	vshll.u32 v5, $0x7  }
0x1bd: {  	vm0 =	veq.s32 v6, $0x80;
	v5 =	vadd.s32 s3, v5  }
0x1be: {  	v5 =	vadd.s32 v1, v5;
	_ =	sdelay $0x4  }
0x1bf: {  	[tilespmem:v5+s20+$0x0] =	vst.idx.msk vm0, v0  }
0x1c0: {  	s6 =	smov.u32 s1;
	s3 =	simm.s32 $0x10;
	v5 =	vld [tilespmem:s1+$0x0]  }
.LBB2_57:
0x1c1: {  	p0 =	sne.s32 s3, $0x70;
	_ =	sdelay $0x3  }
0x1c2: {  	v6 =	vand.u32 $0xFFFFFF80, v5;
	v5 =	vshll.u32 v5, $0x7  }
0x1c3: {  	vm0 =	veq.s32 v6, $0x280;
	v5 =	vadd.s32 s18, v5;
	s18 =	smov.u32 s3  }
0x1c4: {  	v5 =	vadd.s32 v3, v5;
	_ =	sdelay $0x1  }
.Ltmp27:
0x1c5: {  	(pc) =	sbr.rel @p0 .LBB2_57-.Ltmp27, $3  }
0x1c6: {  	_ =	sdelay $0x1  }
0x1c7: {  	s6 =	sadd.s32 $0x10, s6;
	[tilespmem:v5+s20+$0x0] =	vst.idx.msk vm0, v2  }
0x1c8: {  	s3 =	sadd.s32 $0x10, s3;
	v5 =	vld [tilespmem:s6+$0x0]  }
0x1c9: {  	_ =	sdelay $0x3  }
0x1ca: {  	v6 =	vand.u32 $0xFFFFFF80, v5;
	v5 =	vshll.u32 v5, $0x7  }
0x1cb: {  	vm0 =	veq.s32 v6, $0x280;
	v5 =	vadd.s32 s18, v5  }
0x1cc: {  	v5 =	vadd.s32 v3, v5;
	_ =	sdelay $0x4  }
0x1cd: {  	s3 =	sadd.s32 $0x50000, s0;
	[tilespmem:v5+s20+$0x0] =	vst.idx.msk vm0, v2  }
0x1ce: {  	[hbm4b:s3+s16] =	stream.strided.scatter [tilespmem:s21], [sflag:$0x2], $0x4000, s17, s16, $0x38;
	[tilespmem:$0x11000] =	vst v63  }
0x1cf: {  	_ =	swait.ge [sflag:s26], $0x4000  }
0x1d0: {  	[sflag:s26] =	ssyncset.done $0x0  }
0x1d1: {  	s6 =	simm.s32 $0x10;
	[sflag:s26] =	ssyncadd.s32 $0xFFFFC000  }
0x1d2: {  	s31 =	smov.u32 s1;
	s18 =	simm.s32 $0x0;
	s3 =	simm.s32 $0x0;
	v5 =	vld [tilespmem:s1+$0x0]  }
.LBB2_59:
0x1d3: {  	p0 =	sne.s32 s6, $0x70;
	_ =	sdelay $0x3  }
0x1d4: {  	v6 =	vand.u32 $0xFFFFFF80, v5;
	v5 =	vshll.u32 v5, $0x7  }
0x1d5: {  	vm0 =	veq.s32 v6, $0x100;
	v5 =	vadd.s32 s3, v5;
	s3 =	smov.u32 s6  }
0x1d6: {  	v5 =	vadd.s32 v1, v5;
	_ =	sdelay $0x1  }
.Ltmp28:
0x1d7: {  	(pc) =	sbr.rel @p0 .LBB2_59-.Ltmp28, $3  }
0x1d8: {  	_ =	sdelay $0x1  }
0x1d9: {  	s31 =	sadd.s32 $0x10, s31;
	[tilespmem:v5+s20+$0x0] =	vst.idx.msk vm0, v0  }
0x1da: {  	s6 =	sadd.s32 $0x10, s6;
	v5 =	vld [tilespmem:s31+$0x0]  }
0x1db: {  	_ =	sdelay $0x3  }
0x1dc: {  	v6 =	vand.u32 $0xFFFFFF80, v5;
	v5 =	vshll.u32 v5, $0x7  }
0x1dd: {  	vm0 =	veq.s32 v6, $0x100;
	v5 =	vadd.s32 s3, v5  }
0x1de: {  	v5 =	vadd.s32 v1, v5;
	_ =	sdelay $0x4  }
0x1df: {  	[tilespmem:v5+s20+$0x0] =	vst.idx.msk vm0, v0  }
0x1e0: {  	s6 =	smov.u32 s1;
	s3 =	simm.s32 $0x10;
	v5 =	vld [tilespmem:s1+$0x0]  }
.LBB2_61:
0x1e1: {  	p0 =	sne.s32 s3, $0x70;
	_ =	sdelay $0x3  }
0x1e2: {  	v6 =	vadd.s32 $0xFFFFFD00, v5;
	v5 =	vshll.u32 v5, $0x7  }
0x1e3: {  	vm0 =	vlt.u32 v6, $0x68;
	v5 =	vadd.s32 s18, v5;
	s18 =	smov.u32 s3  }
0x1e4: {  	v5 =	vadd.s32 v3, v5;
	_ =	sdelay $0x1  }
.Ltmp29:
0x1e5: {  	(pc) =	sbr.rel @p0 .LBB2_61-.Ltmp29, $3  }
0x1e6: {  	_ =	sdelay $0x1  }
0x1e7: {  	s6 =	sadd.s32 $0x10, s6;
	[tilespmem:v5+s20+$0x0] =	vst.idx.msk vm0, v2  }
0x1e8: {  	s3 =	sadd.s32 $0x10, s3;
	v5 =	vld [tilespmem:s6+$0x0]  }
0x1e9: {  	_ =	sdelay $0x3  }
0x1ea: {  	v6 =	vadd.s32 $0xFFFFFD00, v5;
	v5 =	vshll.u32 v5, $0x7  }
0x1eb: {  	vm0 =	vlt.u32 v6, $0x68;
	v5 =	vadd.s32 s18, v5  }
0x1ec: {  	v5 =	vadd.s32 v3, v5;
	_ =	sdelay $0x4  }
0x1ed: {  	s3 =	sadd.s32 $0x60000, s0;
	[tilespmem:v5+s20+$0x0] =	vst.idx.msk vm0, v2  }
0x1ee: {  	[hbm4b:s3+s16] =	stream.strided.scatter [tilespmem:s22], [sflag:$0x3], $0x3400, s17, s16, $0x38;
	[tilespmem:$0x11000] =	vst v63  }
0x1ef: {  	_ =	swait.ge [sflag:s28], $0x4000  }
0x1f0: {  	[sflag:s28] =	ssyncset.done $0x0  }
0x1f1: {  	s6 =	simm.s32 $0x10;
	[sflag:s28] =	ssyncadd.s32 $0xFFFFC000  }
0x1f2: {  	s31 =	smov.u32 s1;
	s18 =	simm.s32 $0x0;
	s3 =	simm.s32 $0x0;
	v5 =	vld [tilespmem:s1+$0x0]  }
.LBB2_63:
0x1f3: {  	p0 =	sne.s32 s6, $0x70;
	_ =	sdelay $0x3  }
0x1f4: {  	v6 =	vand.u32 $0xFFFFFF80, v5;
	v5 =	vshll.u32 v5, $0x7  }
0x1f5: {  	vm0 =	veq.s32 v6, $0x180;
	v5 =	vadd.s32 s3, v5;
	s3 =	smov.u32 s6  }
0x1f6: {  	v5 =	vadd.s32 v1, v5;
	_ =	sdelay $0x1  }
.Ltmp30:
0x1f7: {  	(pc) =	sbr.rel @p0 .LBB2_63-.Ltmp30, $3  }
0x1f8: {  	_ =	sdelay $0x1  }
0x1f9: {  	s31 =	sadd.s32 $0x10, s31;
	[tilespmem:v5+s20+$0x0] =	vst.idx.msk vm0, v0  }
0x1fa: {  	s6 =	sadd.s32 $0x10, s6;
	v5 =	vld [tilespmem:s31+$0x0]  }
0x1fb: {  	_ =	sdelay $0x3  }
0x1fc: {  	v6 =	vand.u32 $0xFFFFFF80, v5;
	v5 =	vshll.u32 v5, $0x7  }
0x1fd: {  	vm0 =	veq.s32 v6, $0x180;
	v5 =	vadd.s32 s3, v5  }
0x1fe: {  	v5 =	vadd.s32 v1, v5;
	_ =	sdelay $0x4  }
0x1ff: {  	[tilespmem:v5+s20+$0x0] =	vst.idx.msk vm0, v0  }
0x200: {  	s6 =	smov.u32 s1;
	s3 =	simm.s32 $0x10;
	v5 =	vld [tilespmem:s1+$0x0]  }
.LBB2_65:
0x201: {  	p0 =	sne.s32 s3, $0x70;
	_ =	sdelay $0x3  }
0x202: {  	v6 =	vadd.s32 $0xFFFFFC98, v5;
	v5 =	vshll.u32 v5, $0x7  }
0x203: {  	vm0 =	vlt.u32 v6, $0x80;
	v5 =	vadd.s32 s18, v5;
	s18 =	smov.u32 s3  }
0x204: {  	v5 =	vadd.s32 v4, v5;
	_ =	sdelay $0x1  }
.Ltmp31:
0x205: {  	(pc) =	sbr.rel @p0 .LBB2_65-.Ltmp31, $3  }
0x206: {  	_ =	sdelay $0x1  }
0x207: {  	s6 =	sadd.s32 $0x10, s6;
	[tilespmem:v5+s20+$0x0] =	vst.idx.msk vm0, v2  }
0x208: {  	s3 =	sadd.s32 $0x10, s3;
	v5 =	vld [tilespmem:s6+$0x0]  }
0x209: {  	_ =	sdelay $0x3  }
0x20a: {  	v6 =	vadd.s32 $0xFFFFFC98, v5;
	v5 =	vshll.u32 v5, $0x7  }
0x20b: {  	vm0 =	vlt.u32 v6, $0x80;
	v5 =	vadd.s32 s18, v5  }
0x20c: {  	s30 =	sadd.s32 $0x1, s30;
	v5 =	vadd.s32 v4, v5  }
0x20d: {  	p0 =	sne.s32 s30, $0x1A  }
.Ltmp32:
0x20e: {  	_ = 	snop;
	(pc) =	sbr.rel @p0 .LBB2_34-.Ltmp32, $3  }
0x20f: {  	_ =	sdelay $0x1  }
0x210: {  	s0 =	sadd.s32 $0x6D000, s0;
	s8 =	sadd.s32 $0x80, s8;
	s1 =	sadd.s32 $0x80, s1;
	[tilespmem:v5+s20+$0x0] =	vst.idx.msk vm0, v2  }
0x211: {  	[hbm4b:s0+s16] =	stream.strided.scatter [tilespmem:s23], [sflag:$0x4], $0x4000, s17, s16, $0x38;
	[tilespmem:$0x11000] =	vst v63  }
0x212: {  	_ =	swait.ge [sflag:s24], $0x4000  }
0x213: {  	[sflag:s24] =	ssyncset.done $0x0  }
0x214: {  	[sflag:s24] =	ssyncadd.s32 $0xFFFFC000  }
0x215: {  	_ =	swait.ge [sflag:s25], $0x4000  }
0x216: {  	[sflag:s25] =	ssyncset.done $0x0  }
0x217: {  	s29 =	sadd.s32 $0x1, s29;
	[sflag:s25] =	ssyncadd.s32 $0xFFFFC000  }
0x218: {  	p0 =	sne.s32 s29, s15;
	_ =	swait.ge [sflag:s26], $0x3400  }
.Ltmp33:
0x219: {  	[sflag:s26] =	ssyncset.done $0x0;
	(pc) =	sbr.rel @p0 .LBB2_1-.Ltmp33, $4  }
0x21a: {  	[sflag:s26] =	ssyncadd.s32 $0xFFFFCC00  }
0x21b: {  	_ =	swait.ge [sflag:s28], $0x4000  }
0x21c: {  	[sflag:s28] =	ssyncset.done $0x0  }
0x21d: {  	[sflag:s28] =	ssyncadd.s32 $0xFFFFC000  }
0x21e: {  	_ =	sfence.sel $0x180000  }
0x21f: {  	[bflag:$0x0] =	sbarrier.arrive $0xFFFF  }
0x220: {  	_ =	strace $0x90000047  }
0x221: {  	s0 =	stileid.u32;
	[bflag:$0x2] =	sbarrier.arrive $0xFFFF  }
0x222: {  	p0 =	sne.s32 s0, $0x0;
	s0 =	rddreg [dreg:$0x2]  }
0x223: {  	s0 =	sadd.s32 @!p0 $0x100000, s0  }
0x224: {  	[sflag:s0] =	ssyncadd.tile.s32 @!p0 $0x1;
	_ =	shalt  }
.Lfunc_end2:
_tile_overlayer_lowered:
.L_overlay_start_2:
0x225: {  	(tag) =	ssettag $0x2  }
0x226: {  	s0 =	rddreg [dreg:$0x0];
	s2 =	stileid.u32  }
0x227: {  	s1 =	rddreg [dreg:$0x1];
	p0 =	sne.s32 s2, $0x0  }
0x228: {  	s3 =	rddreg [dreg:$0x2];
	[bflag:$0x3] =	sbarrier.arrive $0xFFFF;
	s2 =	simm.s32 @!p0 $0x1C05  }
0x229: {  	[timem:s3], [sflag:s2] =	dma.local @!p0 [hbm:s0], s1  }
0x22a: {  	s0 =	simm.s32 @!p0 $0x5  }
0x22b: {  	_ =	swait.ge @!p0 [sflag:s0], s1  }
0x22c: {  	s1 =	ssub.s32 @!p0 $0x0, s1;
	[sflag:s0] =	ssyncset.done @!p0 $0x0  }
0x22d: {  	[sflag:s0] =	ssyncadd.s32 @!p0 s1  }
0x22e: {  	[bflag:$0x3] =	sbarrier.arrive $0xFFFF  }
0x22f: {  	_ =	shalt  }

</sc_bundles>
